<compile_context>
chip_gen: v7x
topology: tpu7x:2x2x1
jax: 0.10.2.dev20260603
libtpu: 0.0.44.dev20260713+nightly
codegen_flags: <defaults>
</compile_context>

<pallas_src>
import jax
import jax.numpy as jnp
from jax import lax
from jax.experimental import pallas as pl
from jax.experimental.pallas import tpu as pltpu
from jax.experimental.pallas import tpu_sc as plsc

NC, NS, L = 2, 16, 16
NW = NC * NS
B, S, K = 4, 128, 128
ROWS = B * S * S
PAIRS = B * S
PAIRS_PER_W = PAIRS // NW
CH = K // L


def _body(in_hbm, out_hbm, idx_v, gbuf, rbuf, sem, osem):
    wid = lax.axis_index("s") * NC + lax.axis_index("c")
    lanes = lax.iota(jnp.int32, L)

    def fetch(t, slot):
        p = wid * PAIRS_PER_W + t
        b = p // S
        i = p - b * S
        base = b * (S * S) + i
        for c in range(CH):
            idx_v[slot, pl.ds(c * L, L)] = base + S * (c * L + lanes)
        return pltpu.async_copy(in_hbm.at[idx_v.at[slot]], gbuf.at[slot], sem.at[slot])

    def wait_gather(slot):
        pltpu.make_async_copy(in_hbm.at[pl.ds(0, S)], gbuf.at[slot], sem.at[slot]).wait()

    def wait_store(slot):
        pltpu.make_async_copy(rbuf.at[slot], out_hbm.at[pl.ds(0, S)], osem.at[slot]).wait()

    def half(it, t, slot):
        wait_gather(slot)

        @pl.when(it >= 1)
        def _():
            wait_store(slot)

        @plsc.parallel_loop(0, S)
        def _(j):
            for c in range(CH):
                rbuf[slot, j, pl.ds((CH - 1 - c) * L, L)] = lax.rev(
                    gbuf[slot, j, pl.ds(c * L, L)], (0,)
                )

        p = wid * PAIRS_PER_W + t
        pltpu.make_async_copy(
            rbuf.at[slot], out_hbm.at[pl.ds(p * S, S)], osem.at[slot]
        ).start()

        @pl.when(t + 2 < PAIRS_PER_W)
        def _():
            fetch(t + 2, slot)

    fetch(0, 0)
    fetch(1, 1)

    def step(it, carry):
        half(it, 2 * it, 0)
        half(it, 2 * it + 1, 1)
        return carry

    lax.fori_loop(0, PAIRS_PER_W // 2, step, 0)
    wait_store(0)
    wait_store(1)


@jax.jit
def kernel(inputs):
    rows = inputs.reshape(ROWS, K)
    out = pl.kernel(
        _body,
        out_type=jax.ShapeDtypeStruct((ROWS, K), jnp.float32),
        mesh=plsc.VectorSubcoreMesh(core_axis_name="c", subcore_axis_name="s"),
        compiler_params=pltpu.CompilerParams(needs_layout_passes=False),
        scratch_types=[
            pltpu.VMEM((2, K), jnp.int32),
            pltpu.VMEM((2, S, K), jnp.float32),
            pltpu.VMEM((2, S, K), jnp.float32),
            pltpu.SemaphoreType.DMA((2,)),
            pltpu.SemaphoreType.DMA((2,)),
        ],
    )(rows)
    return out.reshape(B, S, S, S, 1)

# --- scband reference (transcript-rebuilt; emitter-appended) ---
"""Pipeline reference for scband-geometric-transformation-layer-65515431133592 (READ-ONLY COPY).

The authoritative reference and input builder live on the scoring server;
editing this copy changes nothing except your own understanding.
"""

import jax, jax.numpy as jnp
import numpy as np

# GeometricTransformationLayer with force_use_in_test_phase=True always takes the
# train_augmented_inputs path, which draws 4 numpy randoms AT GRAPH-BUILD TIME and
# applies a fixed composition of axis reversals / a spatial transpose. We pin the
# numpy RNG (seed 0) so the reference is deterministic. With RandomState(0),
# rv = [0.5488, 0.7152, 0.6028, 0.5449] -> all four branches taken:
#   flip axis 2, flip axis 3, transpose (0,2,1,3,4), flip axis 1.
# Spatial dims 1 and 2 must be equal (cubic volume) for the transpose to preserve shape.

def setup_inputs(seed: int = 0) -> dict:
    key = jax.random.key(seed)
    inputs = jax.random.normal(key, (4, 128, 128, 128, 1), dtype=jnp.float32)
    return {"inputs": inputs}

def reference(inputs):
    rv = np.random.RandomState(0).random(4)
    x = inputs
    if rv[0] > 0.5:
        x = jnp.flip(x, axis=2)
    if rv[1] > 0.5:
        x = jnp.flip(x, axis=3)
    if rv[2] > 0.5:
        x = jnp.transpose(x, (0, 2, 1, 3, 4))
    if rv[3] > 0.5:
        x = jnp.flip(x, axis=1)
    return x

if __name__ == "__main__":
    import jax
    _d = setup_inputs()
    print(jax.jit(kernel)(*tuple(_d.values())))

</pallas_src>

<mosaic_0001>
#map = affine_map<(d0, d1) -> (0, 0)>
module attributes {stable_mosaic.version = 14 : i64} {
  func.func @_body(%arg0: i32, %arg1: i32, %arg2: memref<65536x128xf32, #tpu.memory_space<hbm>>, %arg3: memref<65536x128xf32, #tpu.memory_space<hbm>>, %arg4: memref<2x128xi32, #tpu.memory_space<vmem>>, %arg5: memref<2x128x128xf32, #tpu.memory_space<vmem>>, %arg6: memref<2x128x128xf32, #tpu.memory_space<vmem>>, %arg7: memref<2x!tpu.dma_semaphore, #tpu.memory_space<semaphore_mem>>, %arg8: memref<2x!tpu.dma_semaphore, #tpu.memory_space<semaphore_mem>>) attributes {dimension_semantics = [#tpu.dimension_semantics<core_parallel>, #tpu.dimension_semantics<subcore_parallel>], iteration_bounds = array<i64: 2, 16>, scalar_prefetch = 0 : i64, scratch_operands = 5 : i64, tpu.core_type = #tpu.core_type<sc_vector_subcore>, window_params = [{transform_indices = #map}, {transform_indices = #map}]} {
    %mul3A = arith.constant 2 : i32
    %mul3A_0 = arith.muli %arg1, %mul3A : i32
    %add3A = arith.addi %mul3A_0, %arg0 : i32
    %iota3A = tpu.iota {dimensions = array<i32: 0>} : vector<16xi32>
    %mul3A_1 = arith.constant 16 : i32
    %mul3A_2 = arith.muli %add3A, %mul3A_1 : i32
    %add3A_3 = arith.constant 0 : i32
    %add3A_4 = arith.addi %mul3A_2, %add3A_3 : i32
    %jit3A = arith.constant 128 : i32
    %div3A = arith.divsi %add3A_4, %jit3A : i32
    %sign3A = arith.constant 0 : i32
    %sign3A_5 = arith.cmpi sgt, %add3A_4, %sign3A : i32
    %sign3A_6 = arith.extui %sign3A_5 : i1 to i32
    %sign3A_7 = arith.constant 0 : i32
    %sign3A_8 = arith.cmpi slt, %add3A_4, %sign3A_7 : i32
    %sign3A_9 = arith.extui %sign3A_8 : i1 to i32
    %sign3A_10 = arith.subi %sign3A_6, %sign3A_9 : i32
    %sign3A_11 = arith.constant 0 : i32
    %sign3A_12 = arith.cmpi sgt, %jit3A, %sign3A_11 : i32
    %sign3A_13 = arith.extui %sign3A_12 : i1 to i32
    %sign3A_14 = arith.constant 0 : i32
    %sign3A_15 = arith.cmpi slt, %jit3A, %sign3A_14 : i32
    %sign3A_16 = arith.extui %sign3A_15 : i1 to i32
    %sign3A_17 = arith.subi %sign3A_13, %sign3A_16 : i32
    %ne3A = arith.cmpi ne, %sign3A_10, %sign3A_17 : i32
    %rem3A = arith.remsi %add3A_4, %jit3A : i32
    %ne3A_18 = arith.constant 0 : i32
    %ne3A_19 = arith.cmpi ne, %rem3A, %ne3A_18 : i32
    %and3A = arith.andi %ne3A, %ne3A_19 : i1
    %sub3A = arith.constant 1 : i32
    %sub3A_20 = arith.subi %div3A, %sub3A : i32
    %select_n3A = arith.select %and3A, %sub3A_20, %div3A : i32
    %mul3A_21 = arith.constant 128 : i32
    %mul3A_22 = arith.muli %select_n3A, %mul3A_21 : i32
    %sub3A_23 = arith.subi %add3A_4, %mul3A_22 : i32
    %mul3A_24 = arith.constant 16384 : i32
    %mul3A_25 = arith.muli %select_n3A, %mul3A_24 : i32
    %add3A_26 = arith.addi %mul3A_25, %sub3A_23 : i32
    %add3A_27 = arith.constant 0 : i32
    %add3A_28 = vector.broadcast %add3A_27 : i32 to vector<16xi32>
    %add3A_29 = arith.addi %add3A_28, %iota3A : vector<16xi32>
    %mul3A_30 = arith.constant 128 : i32
    %mul3A_31 = vector.broadcast %mul3A_30 : i32 to vector<16xi32>
    %mul3A_32 = arith.muli %mul3A_31, %add3A_29 : vector<16xi32>
    %add3A_33 = vector.broadcast %add3A_26 : i32 to vector<16xi32>
    %add3A_34 = arith.addi %add3A_33, %mul3A_32 : vector<16xi32>
    %swap3A = arith.constant 0 : i32
    %swap3A_35 = arith.index_cast %swap3A : i32 to index
    %swap3A_36 = arith.constant 0 : index
    %swap3A_37 = tpu.vector_load %arg4[%swap3A_35, %swap3A_36] {strides = array<i32>} : memref<2x128xi32, #tpu.memory_space<vmem>>, vector<16xi32>,
    tpu.vector_store %arg4[%swap3A_35, %swap3A_36], %add3A_34 {strides = array<i32>} : memref<2x128xi32, #tpu.memory_space<vmem>>, vector<16xi32>,
    %add3A_38 = arith.constant 16 : i32
    %add3A_39 = vector.broadcast %add3A_38 : i32 to vector<16xi32>
    %add3A_40 = arith.addi %add3A_39, %iota3A : vector<16xi32>
    %mul3A_41 = arith.constant 128 : i32
    %mul3A_42 = vector.broadcast %mul3A_41 : i32 to vector<16xi32>
    %mul3A_43 = arith.muli %mul3A_42, %add3A_40 : vector<16xi32>
    %add3A_44 = vector.broadcast %add3A_26 : i32 to vector<16xi32>
    %add3A_45 = arith.addi %add3A_44, %mul3A_43 : vector<16xi32>
    %swap3A_46 = arith.constant 0 : i32
    %swap3A_47 = arith.index_cast %swap3A_46 : i32 to index
    %swap3A_48 = arith.constant 16 : index
    %swap3A_49 = tpu.vector_load %arg4[%swap3A_47, %swap3A_48] {strides = array<i32>} : memref<2x128xi32, #tpu.memory_space<vmem>>, vector<16xi32>,
    tpu.vector_store %arg4[%swap3A_47, %swap3A_48], %add3A_45 {strides = array<i32>} : memref<2x128xi32, #tpu.memory_space<vmem>>, vector<16xi32>,
    %add3A_50 = arith.constant 32 : i32
    %add3A_51 = vector.broadcast %add3A_50 : i32 to vector<16xi32>
    %add3A_52 = arith.addi %add3A_51, %iota3A : vector<16xi32>
    %mul3A_53 = arith.constant 128 : i32
    %mul3A_54 = vector.broadcast %mul3A_53 : i32 to vector<16xi32>
    %mul3A_55 = arith.muli %mul3A_54, %add3A_52 : vector<16xi32>
    %add3A_56 = vector.broadcast %add3A_26 : i32 to vector<16xi32>
    %add3A_57 = arith.addi %add3A_56, %mul3A_55 : vector<16xi32>
    %swap3A_58 = arith.constant 0 : i32
    %swap3A_59 = arith.index_cast %swap3A_58 : i32 to index
    %swap3A_60 = arith.constant 32 : index
    %swap3A_61 = tpu.vector_load %arg4[%swap3A_59, %swap3A_60] {strides = array<i32>} : memref<2x128xi32, #tpu.memory_space<vmem>>, vector<16xi32>,
    tpu.vector_store %arg4[%swap3A_59, %swap3A_60], %add3A_57 {strides = array<i32>} : memref<2x128xi32, #tpu.memory_space<vmem>>, vector<16xi32>,
    %add3A_62 = arith.constant 48 : i32
    %add3A_63 = vector.broadcast %add3A_62 : i32 to vector<16xi32>
    %add3A_64 = arith.addi %add3A_63, %iota3A : vector<16xi32>
    %mul3A_65 = arith.constant 128 : i32
    %mul3A_66 = vector.broadcast %mul3A_65 : i32 to vector<16xi32>
    %mul3A_67 = arith.muli %mul3A_66, %add3A_64 : vector<16xi32>
    %add3A_68 = vector.broadcast %add3A_26 : i32 to vector<16xi32>
    %add3A_69 = arith.addi %add3A_68, %mul3A_67 : vector<16xi32>
    %swap3A_70 = arith.constant 0 : i32
    %swap3A_71 = arith.index_cast %swap3A_70 : i32 to index
    %swap3A_72 = arith.constant 48 : index
    %swap3A_73 = tpu.vector_load %arg4[%swap3A_71, %swap3A_72] {strides = array<i32>} : memref<2x128xi32, #tpu.memory_space<vmem>>, vector<16xi32>,
    tpu.vector_store %arg4[%swap3A_71, %swap3A_72], %add3A_69 {strides = array<i32>} : memref<2x128xi32, #tpu.memory_space<vmem>>, vector<16xi32>,
    %add3A_74 = arith.constant 64 : i32
    %add3A_75 = vector.broadcast %add3A_74 : i32 to vector<16xi32>
    %add3A_76 = arith.addi %add3A_75, %iota3A : vector<16xi32>
    %mul3A_77 = arith.constant 128 : i32
    %mul3A_78 = vector.broadcast %mul3A_77 : i32 to vector<16xi32>
    %mul3A_79 = arith.muli %mul3A_78, %add3A_76 : vector<16xi32>
    %add3A_80 = vector.broadcast %add3A_26 : i32 to vector<16xi32>
    %add3A_81 = arith.addi %add3A_80, %mul3A_79 : vector<16xi32>
    %swap3A_82 = arith.constant 0 : i32
    %swap3A_83 = arith.index_cast %swap3A_82 : i32 to index
    %swap3A_84 = arith.constant 64 : index
    %swap3A_85 = tpu.vector_load %arg4[%swap3A_83, %swap3A_84] {strides = array<i32>} : memref<2x128xi32, #tpu.memory_space<vmem>>, vector<16xi32>,
    tpu.vector_store %arg4[%swap3A_83, %swap3A_84], %add3A_81 {strides = array<i32>} : memref<2x128xi32, #tpu.memory_space<vmem>>, vector<16xi32>,
    %add3A_86 = arith.constant 80 : i32
    %add3A_87 = vector.broadcast %add3A_86 : i32 to vector<16xi32>
    %add3A_88 = arith.addi %add3A_87, %iota3A : vector<16xi32>
    %mul3A_89 = arith.constant 128 : i32
    %mul3A_90 = vector.broadcast %mul3A_89 : i32 to vector<16xi32>
    %mul3A_91 = arith.muli %mul3A_90, %add3A_88 : vector<16xi32>
    %add3A_92 = vector.broadcast %add3A_26 : i32 to vector<16xi32>
    %add3A_93 = arith.addi %add3A_92, %mul3A_91 : vector<16xi32>
    %swap3A_94 = arith.constant 0 : i32
    %swap3A_95 = arith.index_cast %swap3A_94 : i32 to index
    %swap3A_96 = arith.constant 80 : index
    %swap3A_97 = tpu.vector_load %arg4[%swap3A_95, %swap3A_96] {strides = array<i32>} : memref<2x128xi32, #tpu.memory_space<vmem>>, vector<16xi32>,
    tpu.vector_store %arg4[%swap3A_95, %swap3A_96], %add3A_93 {strides = array<i32>} : memref<2x128xi32, #tpu.memory_space<vmem>>, vector<16xi32>,
    %add3A_98 = arith.constant 96 : i32
    %add3A_99 = vector.broadcast %add3A_98 : i32 to vector<16xi32>
    %add3A_100 = arith.addi %add3A_99, %iota3A : vector<16xi32>
    %mul3A_101 = arith.constant 128 : i32
    %mul3A_102 = vector.broadcast %mul3A_101 : i32 to vector<16xi32>
    %mul3A_103 = arith.muli %mul3A_102, %add3A_100 : vector<16xi32>
    %add3A_104 = vector.broadcast %add3A_26 : i32 to vector<16xi32>
    %add3A_105 = arith.addi %add3A_104, %mul3A_103 : vector<16xi32>
    %swap3A_106 = arith.constant 0 : i32
    %swap3A_107 = arith.index_cast %swap3A_106 : i32 to index
    %swap3A_108 = arith.constant 96 : index
    %swap3A_109 = tpu.vector_load %arg4[%swap3A_107, %swap3A_108] {strides = array<i32>} : memref<2x128xi32, #tpu.memory_space<vmem>>, vector<16xi32>,
    tpu.vector_store %arg4[%swap3A_107, %swap3A_108], %add3A_105 {strides = array<i32>} : memref<2x128xi32, #tpu.memory_space<vmem>>, vector<16xi32>,
    %add3A_110 = arith.constant 112 : i32
    %add3A_111 = vector.broadcast %add3A_110 : i32 to vector<16xi32>
    %add3A_112 = arith.addi %add3A_111, %iota3A : vector<16xi32>
    %mul3A_113 = arith.constant 128 : i32
    %mul3A_114 = vector.broadcast %mul3A_113 : i32 to vector<16xi32>
    %mul3A_115 = arith.muli %mul3A_114, %add3A_112 : vector<16xi32>
    %add3A_116 = vector.broadcast %add3A_26 : i32 to vector<16xi32>
    %add3A_117 = arith.addi %add3A_116, %mul3A_115 : vector<16xi32>
    %swap3A_118 = arith.constant 0 : i32
    %swap3A_119 = arith.index_cast %swap3A_118 : i32 to index
    %swap3A_120 = arith.constant 112 : index
    %swap3A_121 = tpu.vector_load %arg4[%swap3A_119, %swap3A_120] {strides = array<i32>} : memref<2x128xi32, #tpu.memory_space<vmem>>, vector<16xi32>,
    tpu.vector_store %arg4[%swap3A_119, %swap3A_120], %add3A_117 {strides = array<i32>} : memref<2x128xi32, #tpu.memory_space<vmem>>, vector<16xi32>,
    %dma_start3A = arith.constant 0 : i32
    %dma_start3A_122 = arith.constant 0 : i32
    %dma_start3A_123 = arith.constant 0 : i32
    %dma_start3A_124 = arith.constant 0 : i32
    %dma_start3A_125 = arith.constant 0 : i32
    %dma_start3A_126 = tpu.memref_slice %arg5[%dma_start3A_122, %dma_start3A_124, %dma_start3A_125] : memref<2x128x128xf32, #tpu.memory_space<vmem>> -> memref<1x128x128xf32, #tpu.memory_space<vmem>>
    %dma_start3A_127 = tpu.memref_squeeze %dma_start3A_126 : memref<1x128x128xf32, #tpu.memory_space<vmem>> -> memref<128x128xf32, #tpu.memory_space<vmem>>
    %dma_start3A_128 = arith.constant 0 : i32
    %dma_start3A_129 = tpu.memref_slice %arg4[%dma_start3A, %dma_start3A_128] : memref<2x128xi32, #tpu.memory_space<vmem>> -> memref<1x128xi32, #tpu.memory_space<vmem>>
    %dma_start3A_130 = tpu.memref_squeeze %dma_start3A_129 : memref<1x128xi32, #tpu.memory_space<vmem>> -> memref<128xi32, #tpu.memory_space<vmem>>
    %dma_start3A_131 = arith.constant 0 : i32
    %dma_start3A_132 = arith.constant 0 : i32
    %dma_start3A_133 = tpu.memref_slice %arg2[%dma_start3A_131, %dma_start3A_132] : memref<65536x128xf32, #tpu.memory_space<hbm>> -> memref<65536x128xf32, #tpu.memory_space<hbm>>
    %dma_start3A_134 = tpu.memref_slice %arg7[%dma_start3A_123] : memref<2x!tpu.dma_semaphore, #tpu.memory_space<semaphore_mem>> -> memref<1x!tpu.dma_semaphore, #tpu.memory_space<semaphore_mem>>
    %dma_start3A_135 = tpu.memref_squeeze %dma_start3A_134 : memref<1x!tpu.dma_semaphore, #tpu.memory_space<semaphore_mem>> -> memref<!tpu.dma_semaphore, #tpu.memory_space<semaphore_mem>>
    tpu.enqueue_indirect_dma source(%dma_start3A_133 : memref<65536x128xf32, #tpu.memory_space<hbm>>) target(%dma_start3A_127 : memref<128x128xf32, #tpu.memory_space<vmem>>) offsets(%dma_start3A_130 : memref<128xi32, #tpu.memory_space<vmem>>) semaphore(%dma_start3A_135 : memref<!tpu.dma_semaphore, #tpu.memory_space<semaphore_mem>>)
    %mul3A_136 = arith.constant 16 : i32
    %mul3A_137 = arith.muli %add3A, %mul3A_136 : i32
    %add3A_138 = arith.constant 1 : i32
    %add3A_139 = arith.addi %mul3A_137, %add3A_138 : i32
    %jit3A_140 = arith.constant 128 : i32
    %div3A_141 = arith.divsi %add3A_139, %jit3A_140 : i32
    %sign3A_142 = arith.constant 0 : i32
    %sign3A_143 = arith.cmpi sgt, %add3A_139, %sign3A_142 : i32
    %sign3A_144 = arith.extui %sign3A_143 : i1 to i32
    %sign3A_145 = arith.constant 0 : i32
    %sign3A_146 = arith.cmpi slt, %add3A_139, %sign3A_145 : i32
    %sign3A_147 = arith.extui %sign3A_146 : i1 to i32
    %sign3A_148 = arith.subi %sign3A_144, %sign3A_147 : i32
    %sign3A_149 = arith.constant 0 : i32
    %sign3A_150 = arith.cmpi sgt, %jit3A_140, %sign3A_149 : i32
    %sign3A_151 = arith.extui %sign3A_150 : i1 to i32
    %sign3A_152 = arith.constant 0 : i32
    %sign3A_153 = arith.cmpi slt, %jit3A_140, %sign3A_152 : i32
    %sign3A_154 = arith.extui %sign3A_153 : i1 to i32
    %sign3A_155 = arith.subi %sign3A_151, %sign3A_154 : i32
    %ne3A_156 = arith.cmpi ne, %sign3A_148, %sign3A_155 : i32
    %rem3A_157 = arith.remsi %add3A_139, %jit3A_140 : i32
    %ne3A_158 = arith.constant 0 : i32
    %ne3A_159 = arith.cmpi ne, %rem3A_157, %ne3A_158 : i32
    %and3A_160 = arith.andi %ne3A_156, %ne3A_159 : i1
    %sub3A_161 = arith.constant 1 : i32
    %sub3A_162 = arith.subi %div3A_141, %sub3A_161 : i32
    %select_n3A_163 = arith.select %and3A_160, %sub3A_162, %div3A_141 : i32
    %mul3A_164 = arith.constant 128 : i32
    %mul3A_165 = arith.muli %select_n3A_163, %mul3A_164 : i32
    %sub3A_166 = arith.subi %add3A_139, %mul3A_165 : i32
    %mul3A_167 = arith.constant 16384 : i32
    %mul3A_168 = arith.muli %select_n3A_163, %mul3A_167 : i32
    %add3A_169 = arith.addi %mul3A_168, %sub3A_166 : i32
    %add3A_170 = arith.constant 0 : i32
    %add3A_171 = vector.broadcast %add3A_170 : i32 to vector<16xi32>
    %add3A_172 = arith.addi %add3A_171, %iota3A : vector<16xi32>
    %mul3A_173 = arith.constant 128 : i32
    %mul3A_174 = vector.broadcast %mul3A_173 : i32 to vector<16xi32>
    %mul3A_175 = arith.muli %mul3A_174, %add3A_172 : vector<16xi32>
    %add3A_176 = vector.broadcast %add3A_169 : i32 to vector<16xi32>
    %add3A_177 = arith.addi %add3A_176, %mul3A_175 : vector<16xi32>
    %swap3A_178 = arith.constant 1 : i32
    %swap3A_179 = arith.index_cast %swap3A_178 : i32 to index
    %swap3A_180 = arith.constant 0 : index
    %swap3A_181 = tpu.vector_load %arg4[%swap3A_179, %swap3A_180] {strides = array<i32>} : memref<2x128xi32, #tpu.memory_space<vmem>>, vector<16xi32>,
    tpu.vector_store %arg4[%swap3A_179, %swap3A_180], %add3A_177 {strides = array<i32>} : memref<2x128xi32, #tpu.memory_space<vmem>>, vector<16xi32>,
    %add3A_182 = arith.constant 16 : i32
    %add3A_183 = vector.broadcast %add3A_182 : i32 to vector<16xi32>
    %add3A_184 = arith.addi %add3A_183, %iota3A : vector<16xi32>
    %mul3A_185 = arith.constant 128 : i32
    %mul3A_186 = vector.broadcast %mul3A_185 : i32 to vector<16xi32>
    %mul3A_187 = arith.muli %mul3A_186, %add3A_184 : vector<16xi32>
    %add3A_188 = vector.broadcast %add3A_169 : i32 to vector<16xi32>
    %add3A_189 = arith.addi %add3A_188, %mul3A_187 : vector<16xi32>
    %swap3A_190 = arith.constant 1 : i32
    %swap3A_191 = arith.index_cast %swap3A_190 : i32 to index
    %swap3A_192 = arith.constant 16 : index
    %swap3A_193 = tpu.vector_load %arg4[%swap3A_191, %swap3A_192] {strides = array<i32>} : memref<2x128xi32, #tpu.memory_space<vmem>>, vector<16xi32>,
    tpu.vector_store %arg4[%swap3A_191, %swap3A_192], %add3A_189 {strides = array<i32>} : memref<2x128xi32, #tpu.memory_space<vmem>>, vector<16xi32>,
    %add3A_194 = arith.constant 32 : i32
    %add3A_195 = vector.broadcast %add3A_194 : i32 to vector<16xi32>
    %add3A_196 = arith.addi %add3A_195, %iota3A : vector<16xi32>
    %mul3A_197 = arith.constant 128 : i32
    %mul3A_198 = vector.broadcast %mul3A_197 : i32 to vector<16xi32>
    %mul3A_199 = arith.muli %mul3A_198, %add3A_196 : vector<16xi32>
    %add3A_200 = vector.broadcast %add3A_169 : i32 to vector<16xi32>
    %add3A_201 = arith.addi %add3A_200, %mul3A_199 : vector<16xi32>
    %swap3A_202 = arith.constant 1 : i32
    %swap3A_203 = arith.index_cast %swap3A_202 : i32 to index
    %swap3A_204 = arith.constant 32 : index
    %swap3A_205 = tpu.vector_load %arg4[%swap3A_203, %swap3A_204] {strides = array<i32>} : memref<2x128xi32, #tpu.memory_space<vmem>>, vector<16xi32>,
    tpu.vector_store %arg4[%swap3A_203, %swap3A_204], %add3A_201 {strides = array<i32>} : memref<2x128xi32, #tpu.memory_space<vmem>>, vector<16xi32>,
    %add3A_206 = arith.constant 48 : i32
    %add3A_207 = vector.broadcast %add3A_206 : i32 to vector<16xi32>
    %add3A_208 = arith.addi %add3A_207, %iota3A : vector<16xi32>
    %mul3A_209 = arith.constant 128 : i32
    %mul3A_210 = vector.broadcast %mul3A_209 : i32 to vector<16xi32>
    %mul3A_211 = arith.muli %mul3A_210, %add3A_208 : vector<16xi32>
    %add3A_212 = vector.broadcast %add3A_169 : i32 to vector<16xi32>
    %add3A_213 = arith.addi %add3A_212, %mul3A_211 : vector<16xi32>
    %swap3A_214 = arith.constant 1 : i32
    %swap3A_215 = arith.index_cast %swap3A_214 : i32 to index
    %swap3A_216 = arith.constant 48 : index
    %swap3A_217 = tpu.vector_load %arg4[%swap3A_215, %swap3A_216] {strides = array<i32>} : memref<2x128xi32, #tpu.memory_space<vmem>>, vector<16xi32>,
    tpu.vector_store %arg4[%swap3A_215, %swap3A_216], %add3A_213 {strides = array<i32>} : memref<2x128xi32, #tpu.memory_space<vmem>>, vector<16xi32>,
    %add3A_218 = arith.constant 64 : i32
    %add3A_219 = vector.broadcast %add3A_218 : i32 to vector<16xi32>
    %add3A_220 = arith.addi %add3A_219, %iota3A : vector<16xi32>
    %mul3A_221 = arith.constant 128 : i32
    %mul3A_222 = vector.broadcast %mul3A_221 : i32 to vector<16xi32>
    %mul3A_223 = arith.muli %mul3A_222, %add3A_220 : vector<16xi32>
    %add3A_224 = vector.broadcast %add3A_169 : i32 to vector<16xi32>
    %add3A_225 = arith.addi %add3A_224, %mul3A_223 : vector<16xi32>
    %swap3A_226 = arith.constant 1 : i32
    %swap3A_227 = arith.index_cast %swap3A_226 : i32 to index
    %swap3A_228 = arith.constant 64 : index
    %swap3A_229 = tpu.vector_load %arg4[%swap3A_227, %swap3A_228] {strides = array<i32>} : memref<2x128xi32, #tpu.memory_space<vmem>>, vector<16xi32>,
    tpu.vector_store %arg4[%swap3A_227, %swap3A_228], %add3A_225 {strides = array<i32>} : memref<2x128xi32, #tpu.memory_space<vmem>>, vector<16xi32>,
    %add3A_230 = arith.constant 80 : i32
    %add3A_231 = vector.broadcast %add3A_230 : i32 to vector<16xi32>
    %add3A_232 = arith.addi %add3A_231, %iota3A : vector<16xi32>
    %mul3A_233 = arith.constant 128 : i32
    %mul3A_234 = vector.broadcast %mul3A_233 : i32 to vector<16xi32>
    %mul3A_235 = arith.muli %mul3A_234, %add3A_232 : vector<16xi32>
    %add3A_236 = vector.broadcast %add3A_169 : i32 to vector<16xi32>
    %add3A_237 = arith.addi %add3A_236, %mul3A_235 : vector<16xi32>
    %swap3A_238 = arith.constant 1 : i32
    %swap3A_239 = arith.index_cast %swap3A_238 : i32 to index
    %swap3A_240 = arith.constant 80 : index
    %swap3A_241 = tpu.vector_load %arg4[%swap3A_239, %swap3A_240] {strides = array<i32>} : memref<2x128xi32, #tpu.memory_space<vmem>>, vector<16xi32>,
    tpu.vector_store %arg4[%swap3A_239, %swap3A_240], %add3A_237 {strides = array<i32>} : memref<2x128xi32, #tpu.memory_space<vmem>>, vector<16xi32>,
    %add3A_242 = arith.constant 96 : i32
    %add3A_243 = vector.broadcast %add3A_242 : i32 to vector<16xi32>
    %add3A_244 = arith.addi %add3A_243, %iota3A : vector<16xi32>
    %mul3A_245 = arith.constant 128 : i32
    %mul3A_246 = vector.broadcast %mul3A_245 : i32 to vector<16xi32>
    %mul3A_247 = arith.muli %mul3A_246, %add3A_244 : vector<16xi32>
    %add3A_248 = vector.broadcast %add3A_169 : i32 to vector<16xi32>
    %add3A_249 = arith.addi %add3A_248, %mul3A_247 : vector<16xi32>
    %swap3A_250 = arith.constant 1 : i32
    %swap3A_251 = arith.index_cast %swap3A_250 : i32 to index
    %swap3A_252 = arith.constant 96 : index
    %swap3A_253 = tpu.vector_load %arg4[%swap3A_251, %swap3A_252] {strides = array<i32>} : memref<2x128xi32, #tpu.memory_space<vmem>>, vector<16xi32>,
    tpu.vector_store %arg4[%swap3A_251, %swap3A_252], %add3A_249 {strides = array<i32>} : memref<2x128xi32, #tpu.memory_space<vmem>>, vector<16xi32>,
    %add3A_254 = arith.constant 112 : i32
    %add3A_255 = vector.broadcast %add3A_254 : i32 to vector<16xi32>
    %add3A_256 = arith.addi %add3A_255, %iota3A : vector<16xi32>
    %mul3A_257 = arith.constant 128 : i32
    %mul3A_258 = vector.broadcast %mul3A_257 : i32 to vector<16xi32>
    %mul3A_259 = arith.muli %mul3A_258, %add3A_256 : vector<16xi32>
    %add3A_260 = vector.broadcast %add3A_169 : i32 to vector<16xi32>
    %add3A_261 = arith.addi %add3A_260, %mul3A_259 : vector<16xi32>
    %swap3A_262 = arith.constant 1 : i32
    %swap3A_263 = arith.index_cast %swap3A_262 : i32 to index
    %swap3A_264 = arith.constant 112 : index
    %swap3A_265 = tpu.vector_load %arg4[%swap3A_263, %swap3A_264] {strides = array<i32>} : memref<2x128xi32, #tpu.memory_space<vmem>>, vector<16xi32>,
    tpu.vector_store %arg4[%swap3A_263, %swap3A_264], %add3A_261 {strides = array<i32>} : memref<2x128xi32, #tpu.memory_space<vmem>>, vector<16xi32>,
    %dma_start3A_266 = arith.constant 1 : i32
    %dma_start3A_267 = arith.constant 1 : i32
    %dma_start3A_268 = arith.constant 1 : i32
    %dma_start3A_269 = arith.constant 0 : i32
    %dma_start3A_270 = arith.constant 0 : i32
    %dma_start3A_271 = tpu.memref_slice %arg5[%dma_start3A_267, %dma_start3A_269, %dma_start3A_270] : memref<2x128x128xf32, #tpu.memory_space<vmem>> -> memref<1x128x128xf32, #tpu.memory_space<vmem>>
    %dma_start3A_272 = tpu.memref_squeeze %dma_start3A_271 : memref<1x128x128xf32, #tpu.memory_space<vmem>> -> memref<128x128xf32, #tpu.memory_space<vmem>>
    %dma_start3A_273 = arith.constant 0 : i32
    %dma_start3A_274 = tpu.memref_slice %arg4[%dma_start3A_266, %dma_start3A_273] : memref<2x128xi32, #tpu.memory_space<vmem>> -> memref<1x128xi32, #tpu.memory_space<vmem>>
    %dma_start3A_275 = tpu.memref_squeeze %dma_start3A_274 : memref<1x128xi32, #tpu.memory_space<vmem>> -> memref<128xi32, #tpu.memory_space<vmem>>
    %dma_start3A_276 = arith.constant 0 : i32
    %dma_start3A_277 = arith.constant 0 : i32
    %dma_start3A_278 = tpu.memref_slice %arg2[%dma_start3A_276, %dma_start3A_277] : memref<65536x128xf32, #tpu.memory_space<hbm>> -> memref<65536x128xf32, #tpu.memory_space<hbm>>
    %dma_start3A_279 = tpu.memref_slice %arg7[%dma_start3A_268] : memref<2x!tpu.dma_semaphore, #tpu.memory_space<semaphore_mem>> -> memref<1x!tpu.dma_semaphore, #tpu.memory_space<semaphore_mem>>
    %dma_start3A_280 = tpu.memref_squeeze %dma_start3A_279 : memref<1x!tpu.dma_semaphore, #tpu.memory_space<semaphore_mem>> -> memref<!tpu.dma_semaphore, #tpu.memory_space<semaphore_mem>>
    tpu.enqueue_indirect_dma source(%dma_start3A_278 : memref<65536x128xf32, #tpu.memory_space<hbm>>) target(%dma_start3A_272 : memref<128x128xf32, #tpu.memory_space<vmem>>) offsets(%dma_start3A_275 : memref<128xi32, #tpu.memory_space<vmem>>) semaphore(%dma_start3A_280 : memref<!tpu.dma_semaphore, #tpu.memory_space<semaphore_mem>>)
    %scan3A = arith.constant 0 : i32
    %scan3A_281 = arith.constant 0 : i32
    %scan3A_282 = arith.constant 8 : i32
    %scan3A_283 = arith.addi %scan3A_281, %scan3A_282 : i32
    %scan3A_284 = arith.constant 1 : i32
    scf.for %scan3A_321 = %scan3A_281 to %scan3A_283 step %scan3A_284  : i32 {
      %mul3A_322 = arith.constant 2 : i32
      %mul3A_323 = arith.muli %mul3A_322, %scan3A_321 : i32
      %dma_wait3A_324 = arith.constant 0 : i32
      %dma_wait3A_325 = arith.constant 0 : i32
      %dma_wait3A_326 = arith.constant 0 : i32
      %dma_wait3A_327 = arith.constant 0 : i32
      %dma_wait3A_328 = tpu.memref_slice %arg5[%dma_wait3A_324, %dma_wait3A_326, %dma_wait3A_327] : memref<2x128x128xf32, #tpu.memory_space<vmem>> -> memref<1x128x128xf32, #tpu.memory_space<vmem>>
      %dma_wait3A_329 = tpu.memref_squeeze %dma_wait3A_328 : memref<1x128x128xf32, #tpu.memory_space<vmem>> -> memref<128x128xf32, #tpu.memory_space<vmem>>
      %dma_wait3A_330 = arith.constant 0 : i32
      %dma_wait3A_331 = arith.constant 0 : i32
      %dma_wait3A_332 = tpu.memref_slice %arg2[%dma_wait3A_330, %dma_wait3A_331] : memref<65536x128xf32, #tpu.memory_space<hbm>> -> memref<128x128xf32, #tpu.memory_space<hbm>>
      %dma_wait3A_333 = tpu.memref_slice %arg7[%dma_wait3A_325] : memref<2x!tpu.dma_semaphore, #tpu.memory_space<semaphore_mem>> -> memref<1x!tpu.dma_semaphore, #tpu.memory_space<semaphore_mem>>
      %dma_wait3A_334 = tpu.memref_squeeze %dma_wait3A_333 : memref<1x!tpu.dma_semaphore, #tpu.memory_space<semaphore_mem>> -> memref<!tpu.dma_semaphore, #tpu.memory_space<semaphore_mem>>
      %dma_wait3A_335 = arith.constant 0 : i32
      %dma_wait3A_336 = arith.constant 0 : i32
      %dma_wait3A_337 = tpu.memref_slice %arg5[%dma_wait3A_324, %dma_wait3A_335, %dma_wait3A_336] : memref<2x128x128xf32, #tpu.memory_space<vmem>> -> memref<1x128x128xf32, #tpu.memory_space<vmem>>
      %dma_wait3A_338 = tpu.memref_squeeze %dma_wait3A_337 : memref<1x128x128xf32, #tpu.memory_space<vmem>> -> memref<128x128xf32, #tpu.memory_space<vmem>>
      %dma_wait3A_339 = arith.constant 0 : i32
      %dma_wait3A_340 = arith.constant 0 : i32
      %dma_wait3A_341 = tpu.memref_slice %arg2[%dma_wait3A_339, %dma_wait3A_340] : memref<65536x128xf32, #tpu.memory_space<hbm>> -> memref<128x128xf32, #tpu.memory_space<hbm>>
      tpu.wait_dma2 semaphore(%dma_wait3A_334 : memref<!tpu.dma_semaphore, #tpu.memory_space<semaphore_mem>>) src(%dma_wait3A_341 : memref<128x128xf32, #tpu.memory_space<hbm>>) dst(%dma_wait3A_338 : memref<128x128xf32, #tpu.memory_space<vmem>>)
      %ge3A = arith.constant 1 : i32
      %ge3A_342 = arith.cmpi sge, %scan3A_321, %ge3A : i32
      %convert_element_type3A = arith.extui %ge3A_342 : i1 to i32
      %cond3A = arith.constant 0 : i32
      %cond3A_343 = arith.cmpi ne, %convert_element_type3A, %cond3A : i32
      scf.if %cond3A_343 {
        %dma_wait3A_431 = arith.constant 0 : i32
        %dma_wait3A_432 = arith.constant 0 : i32
        %dma_wait3A_433 = arith.constant 0 : i32
        %dma_wait3A_434 = arith.constant 0 : i32
        %dma_wait3A_435 = tpu.memref_slice %arg6[%dma_wait3A_431, %dma_wait3A_433, %dma_wait3A_434] : memref<2x128x128xf32, #tpu.memory_space<vmem>> -> memref<1x128x128xf32, #tpu.memory_space<vmem>>
        %dma_wait3A_436 = tpu.memref_squeeze %dma_wait3A_435 : memref<1x128x128xf32, #tpu.memory_space<vmem>> -> memref<128x128xf32, #tpu.memory_space<vmem>>
        %dma_wait3A_437 = arith.constant 0 : i32
        %dma_wait3A_438 = arith.constant 0 : i32
        %dma_wait3A_439 = tpu.memref_slice %arg3[%dma_wait3A_437, %dma_wait3A_438] : memref<65536x128xf32, #tpu.memory_space<hbm>> -> memref<128x128xf32, #tpu.memory_space<hbm>>
        %dma_wait3A_440 = tpu.memref_slice %arg8[%dma_wait3A_432] : memref<2x!tpu.dma_semaphore, #tpu.memory_space<semaphore_mem>> -> memref<1x!tpu.dma_semaphore, #tpu.memory_space<semaphore_mem>>
        %dma_wait3A_441 = tpu.memref_squeeze %dma_wait3A_440 : memref<1x!tpu.dma_semaphore, #tpu.memory_space<semaphore_mem>> -> memref<!tpu.dma_semaphore, #tpu.memory_space<semaphore_mem>>
        %dma_wait3A_442 = arith.constant 0 : i32
        %dma_wait3A_443 = arith.constant 0 : i32
        %dma_wait3A_444 = tpu.memref_slice %arg3[%dma_wait3A_442, %dma_wait3A_443] : memref<65536x128xf32, #tpu.memory_space<hbm>> -> memref<128x128xf32, #tpu.memory_space<hbm>>
        %dma_wait3A_445 = arith.constant 0 : i32
        %dma_wait3A_446 = arith.constant 0 : i32
        %dma_wait3A_447 = tpu.memref_slice %arg6[%dma_wait3A_431, %dma_wait3A_445, %dma_wait3A_446] : memref<2x128x128xf32, #tpu.memory_space<vmem>> -> memref<1x128x128xf32, #tpu.memory_space<vmem>>
        %dma_wait3A_448 = tpu.memref_squeeze %dma_wait3A_447 : memref<1x128x128xf32, #tpu.memory_space<vmem>> -> memref<128x128xf32, #tpu.memory_space<vmem>>
        tpu.wait_dma2 semaphore(%dma_wait3A_441 : memref<!tpu.dma_semaphore, #tpu.memory_space<semaphore_mem>>) src(%dma_wait3A_448 : memref<128x128xf32, #tpu.memory_space<vmem>>) dst(%dma_wait3A_444 : memref<128x128xf32, #tpu.memory_space<hbm>>)
      } else {
      }
      %parallel_loop3A = arith.constant 0 : i32
      %parallel_loop3A_344 = arith.constant 128 : i32
      %parallel_loop3A_345 = arith.constant 1 : i32
      scf.for %parallel_loop3A_431 = %parallel_loop3A to %parallel_loop3A_344 step %parallel_loop3A_345  : i32 {
        %parallel_loop3A_432 = arith.constant 0 : i32
        %parallel_loop3A_433 = arith.index_cast %parallel_loop3A_432 : i32 to index
        %parallel_loop3A_434 = arith.index_cast %parallel_loop3A_431 : i32 to index
        %parallel_loop3A_435 = arith.constant 0 : index
        %parallel_loop3A_436 = tpu.vector_load %arg5[%parallel_loop3A_433, %parallel_loop3A_434, %parallel_loop3A_435] {strides = array<i32>} : memref<2x128x128xf32, #tpu.memory_space<vmem>>, vector<16xf32>,
        %parallel_loop3A_437 = arith.constant 15 : i32
        %parallel_loop3A_438 = vector.broadcast %parallel_loop3A_437 : i32 to vector<16xi32>
        %parallel_loop3A_439 = tpu.iota {dimensions = array<i32: 0>} : vector<16xi32>
        %parallel_loop3A_440 = arith.subi %parallel_loop3A_438, %parallel_loop3A_439 : vector<16xi32>
        %parallel_loop3A_441 = tpu.dynamic_gather %parallel_loop3A_436[%parallel_loop3A_440] in [0] : vector<16xf32>, vector<16xi32> -> vector<16xf32>
        %parallel_loop3A_442 = arith.constant 0 : i32
        %parallel_loop3A_443 = arith.index_cast %parallel_loop3A_442 : i32 to index
        %parallel_loop3A_444 = arith.index_cast %parallel_loop3A_431 : i32 to index
        %parallel_loop3A_445 = arith.constant 112 : index
        %parallel_loop3A_446 = tpu.vector_load %arg6[%parallel_loop3A_443, %parallel_loop3A_444, %parallel_loop3A_445] {strides = array<i32>} : memref<2x128x128xf32, #tpu.memory_space<vmem>>, vector<16xf32>,
        tpu.vector_store %arg6[%parallel_loop3A_443, %parallel_loop3A_444, %parallel_loop3A_445], %parallel_loop3A_441 {strides = array<i32>} : memref<2x128x128xf32, #tpu.memory_space<vmem>>, vector<16xf32>,
        %parallel_loop3A_447 = arith.constant 0 : i32
        %parallel_loop3A_448 = arith.index_cast %parallel_loop3A_447 : i32 to index
        %parallel_loop3A_449 = arith.index_cast %parallel_loop3A_431 : i32 to index
        %parallel_loop3A_450 = arith.constant 16 : index
        %parallel_loop3A_451 = tpu.vector_load %arg5[%parallel_loop3A_448, %parallel_loop3A_449, %parallel_loop3A_450] {strides = array<i32>} : memref<2x128x128xf32, #tpu.memory_space<vmem>>, vector<16xf32>,
        %parallel_loop3A_452 = arith.constant 15 : i32
        %parallel_loop3A_453 = vector.broadcast %parallel_loop3A_452 : i32 to vector<16xi32>
        %parallel_loop3A_454 = tpu.iota {dimensions = array<i32: 0>} : vector<16xi32>
        %parallel_loop3A_455 = arith.subi %parallel_loop3A_453, %parallel_loop3A_454 : vector<16xi32>
        %parallel_loop3A_456 = tpu.dynamic_gather %parallel_loop3A_451[%parallel_loop3A_455] in [0] : vector<16xf32>, vector<16xi32> -> vector<16xf32>
        %parallel_loop3A_457 = arith.constant 0 : i32
        %parallel_loop3A_458 = arith.index_cast %parallel_loop3A_457 : i32 to index
        %parallel_loop3A_459 = arith.index_cast %parallel_loop3A_431 : i32 to index
        %parallel_loop3A_460 = arith.constant 96 : index
        %parallel_loop3A_461 = tpu.vector_load %arg6[%parallel_loop3A_458, %parallel_loop3A_459, %parallel_loop3A_460] {strides = array<i32>} : memref<2x128x128xf32, #tpu.memory_space<vmem>>, vector<16xf32>,
        tpu.vector_store %arg6[%parallel_loop3A_458, %parallel_loop3A_459, %parallel_loop3A_460], %parallel_loop3A_456 {strides = array<i32>} : memref<2x128x128xf32, #tpu.memory_space<vmem>>, vector<16xf32>,
        %parallel_loop3A_462 = arith.constant 0 : i32
        %parallel_loop3A_463 = arith.index_cast %parallel_loop3A_462 : i32 to index
        %parallel_loop3A_464 = arith.index_cast %parallel_loop3A_431 : i32 to index
        %parallel_loop3A_465 = arith.constant 32 : index
        %parallel_loop3A_466 = tpu.vector_load %arg5[%parallel_loop3A_463, %parallel_loop3A_464, %parallel_loop3A_465] {strides = array<i32>} : memref<2x128x128xf32, #tpu.memory_space<vmem>>, vector<16xf32>,
        %parallel_loop3A_467 = arith.constant 15 : i32
        %parallel_loop3A_468 = vector.broadcast %parallel_loop3A_467 : i32 to vector<16xi32>
        %parallel_loop3A_469 = tpu.iota {dimensions = array<i32: 0>} : vector<16xi32>
        %parallel_loop3A_470 = arith.subi %parallel_loop3A_468, %parallel_loop3A_469 : vector<16xi32>
        %parallel_loop3A_471 = tpu.dynamic_gather %parallel_loop3A_466[%parallel_loop3A_470] in [0] : vector<16xf32>, vector<16xi32> -> vector<16xf32>
        %parallel_loop3A_472 = arith.constant 0 : i32
        %parallel_loop3A_473 = arith.index_cast %parallel_loop3A_472 : i32 to index
        %parallel_loop3A_474 = arith.index_cast %parallel_loop3A_431 : i32 to index
        %parallel_loop3A_475 = arith.constant 80 : index
        %parallel_loop3A_476 = tpu.vector_load %arg6[%parallel_loop3A_473, %parallel_loop3A_474, %parallel_loop3A_475] {strides = array<i32>} : memref<2x128x128xf32, #tpu.memory_space<vmem>>, vector<16xf32>,
        tpu.vector_store %arg6[%parallel_loop3A_473, %parallel_loop3A_474, %parallel_loop3A_475], %parallel_loop3A_471 {strides = array<i32>} : memref<2x128x128xf32, #tpu.memory_space<vmem>>, vector<16xf32>,
        %parallel_loop3A_477 = arith.constant 0 : i32
        %parallel_loop3A_478 = arith.index_cast %parallel_loop3A_477 : i32 to index
        %parallel_loop3A_479 = arith.index_cast %parallel_loop3A_431 : i32 to index
        %parallel_loop3A_480 = arith.constant 48 : index
        %parallel_loop3A_481 = tpu.vector_load %arg5[%parallel_loop3A_478, %parallel_loop3A_479, %parallel_loop3A_480] {strides = array<i32>} : memref<2x128x128xf32, #tpu.memory_space<vmem>>, vector<16xf32>,
        %parallel_loop3A_482 = arith.constant 15 : i32
        %parallel_loop3A_483 = vector.broadcast %parallel_loop3A_482 : i32 to vector<16xi32>
        %parallel_loop3A_484 = tpu.iota {dimensions = array<i32: 0>} : vector<16xi32>
        %parallel_loop3A_485 = arith.subi %parallel_loop3A_483, %parallel_loop3A_484 : vector<16xi32>
        %parallel_loop3A_486 = tpu.dynamic_gather %parallel_loop3A_481[%parallel_loop3A_485] in [0] : vector<16xf32>, vector<16xi32> -> vector<16xf32>
        %parallel_loop3A_487 = arith.constant 0 : i32
        %parallel_loop3A_488 = arith.index_cast %parallel_loop3A_487 : i32 to index
        %parallel_loop3A_489 = arith.index_cast %parallel_loop3A_431 : i32 to index
        %parallel_loop3A_490 = arith.constant 64 : index
        %parallel_loop3A_491 = tpu.vector_load %arg6[%parallel_loop3A_488, %parallel_loop3A_489, %parallel_loop3A_490] {strides = array<i32>} : memref<2x128x128xf32, #tpu.memory_space<vmem>>, vector<16xf32>,
        tpu.vector_store %arg6[%parallel_loop3A_488, %parallel_loop3A_489, %parallel_loop3A_490], %parallel_loop3A_486 {strides = array<i32>} : memref<2x128x128xf32, #tpu.memory_space<vmem>>, vector<16xf32>,
        %parallel_loop3A_492 = arith.constant 0 : i32
        %parallel_loop3A_493 = arith.index_cast %parallel_loop3A_492 : i32 to index
        %parallel_loop3A_494 = arith.index_cast %parallel_loop3A_431 : i32 to index
        %parallel_loop3A_495 = arith.constant 64 : index
        %parallel_loop3A_496 = tpu.vector_load %arg5[%parallel_loop3A_493, %parallel_loop3A_494, %parallel_loop3A_495] {strides = array<i32>} : memref<2x128x128xf32, #tpu.memory_space<vmem>>, vector<16xf32>,
        %parallel_loop3A_497 = arith.constant 15 : i32
        %parallel_loop3A_498 = vector.broadcast %parallel_loop3A_497 : i32 to vector<16xi32>
        %parallel_loop3A_499 = tpu.iota {dimensions = array<i32: 0>} : vector<16xi32>
        %parallel_loop3A_500 = arith.subi %parallel_loop3A_498, %parallel_loop3A_499 : vector<16xi32>
        %parallel_loop3A_501 = tpu.dynamic_gather %parallel_loop3A_496[%parallel_loop3A_500] in [0] : vector<16xf32>, vector<16xi32> -> vector<16xf32>
        %parallel_loop3A_502 = arith.constant 0 : i32
        %parallel_loop3A_503 = arith.index_cast %parallel_loop3A_502 : i32 to index
        %parallel_loop3A_504 = arith.index_cast %parallel_loop3A_431 : i32 to index
        %parallel_loop3A_505 = arith.constant 48 : index
        %parallel_loop3A_506 = tpu.vector_load %arg6[%parallel_loop3A_503, %parallel_loop3A_504, %parallel_loop3A_505] {strides = array<i32>} : memref<2x128x128xf32, #tpu.memory_space<vmem>>, vector<16xf32>,
        tpu.vector_store %arg6[%parallel_loop3A_503, %parallel_loop3A_504, %parallel_loop3A_505], %parallel_loop3A_501 {strides = array<i32>} : memref<2x128x128xf32, #tpu.memory_space<vmem>>, vector<16xf32>,
        %parallel_loop3A_507 = arith.constant 0 : i32
        %parallel_loop3A_508 = arith.index_cast %parallel_loop3A_507 : i32 to index
        %parallel_loop3A_509 = arith.index_cast %parallel_loop3A_431 : i32 to index
        %parallel_loop3A_510 = arith.constant 80 : index
        %parallel_loop3A_511 = tpu.vector_load %arg5[%parallel_loop3A_508, %parallel_loop3A_509, %parallel_loop3A_510] {strides = array<i32>} : memref<2x128x128xf32, #tpu.memory_space<vmem>>, vector<16xf32>,
        %parallel_loop3A_512 = arith.constant 15 : i32
        %parallel_loop3A_513 = vector.broadcast %parallel_loop3A_512 : i32 to vector<16xi32>
        %parallel_loop3A_514 = tpu.iota {dimensions = array<i32: 0>} : vector<16xi32>
        %parallel_loop3A_515 = arith.subi %parallel_loop3A_513, %parallel_loop3A_514 : vector<16xi32>
        %parallel_loop3A_516 = tpu.dynamic_gather %parallel_loop3A_511[%parallel_loop3A_515] in [0] : vector<16xf32>, vector<16xi32> -> vector<16xf32>
        %parallel_loop3A_517 = arith.constant 0 : i32
        %parallel_loop3A_518 = arith.index_cast %parallel_loop3A_517 : i32 to index
        %parallel_loop3A_519 = arith.index_cast %parallel_loop3A_431 : i32 to index
        %parallel_loop3A_520 = arith.constant 32 : index
        %parallel_loop3A_521 = tpu.vector_load %arg6[%parallel_loop3A_518, %parallel_loop3A_519, %parallel_loop3A_520] {strides = array<i32>} : memref<2x128x128xf32, #tpu.memory_space<vmem>>, vector<16xf32>,
        tpu.vector_store %arg6[%parallel_loop3A_518, %parallel_loop3A_519, %parallel_loop3A_520], %parallel_loop3A_516 {strides = array<i32>} : memref<2x128x128xf32, #tpu.memory_space<vmem>>, vector<16xf32>,
        %parallel_loop3A_522 = arith.constant 0 : i32
        %parallel_loop3A_523 = arith.index_cast %parallel_loop3A_522 : i32 to index
        %parallel_loop3A_524 = arith.index_cast %parallel_loop3A_431 : i32 to index
        %parallel_loop3A_525 = arith.constant 96 : index
        %parallel_loop3A_526 = tpu.vector_load %arg5[%parallel_loop3A_523, %parallel_loop3A_524, %parallel_loop3A_525] {strides = array<i32>} : memref<2x128x128xf32, #tpu.memory_space<vmem>>, vector<16xf32>,
        %parallel_loop3A_527 = arith.constant 15 : i32
        %parallel_loop3A_528 = vector.broadcast %parallel_loop3A_527 : i32 to vector<16xi32>
        %parallel_loop3A_529 = tpu.iota {dimensions = array<i32: 0>} : vector<16xi32>
        %parallel_loop3A_530 = arith.subi %parallel_loop3A_528, %parallel_loop3A_529 : vector<16xi32>
        %parallel_loop3A_531 = tpu.dynamic_gather %parallel_loop3A_526[%parallel_loop3A_530] in [0] : vector<16xf32>, vector<16xi32> -> vector<16xf32>
        %parallel_loop3A_532 = arith.constant 0 : i32
        %parallel_loop3A_533 = arith.index_cast %parallel_loop3A_532 : i32 to index
        %parallel_loop3A_534 = arith.index_cast %parallel_loop3A_431 : i32 to index
        %parallel_loop3A_535 = arith.constant 16 : index
        %parallel_loop3A_536 = tpu.vector_load %arg6[%parallel_loop3A_533, %parallel_loop3A_534, %parallel_loop3A_535] {strides = array<i32>} : memref<2x128x128xf32, #tpu.memory_space<vmem>>, vector<16xf32>,
        tpu.vector_store %arg6[%parallel_loop3A_533, %parallel_loop3A_534, %parallel_loop3A_535], %parallel_loop3A_531 {strides = array<i32>} : memref<2x128x128xf32, #tpu.memory_space<vmem>>, vector<16xf32>,
        %parallel_loop3A_537 = arith.constant 0 : i32
        %parallel_loop3A_538 = arith.index_cast %parallel_loop3A_537 : i32 to index
        %parallel_loop3A_539 = arith.index_cast %parallel_loop3A_431 : i32 to index
        %parallel_loop3A_540 = arith.constant 112 : index
        %parallel_loop3A_541 = tpu.vector_load %arg5[%parallel_loop3A_538, %parallel_loop3A_539, %parallel_loop3A_540] {strides = array<i32>} : memref<2x128x128xf32, #tpu.memory_space<vmem>>, vector<16xf32>,
        %parallel_loop3A_542 = arith.constant 15 : i32
        %parallel_loop3A_543 = vector.broadcast %parallel_loop3A_542 : i32 to vector<16xi32>
        %parallel_loop3A_544 = tpu.iota {dimensions = array<i32: 0>} : vector<16xi32>
        %parallel_loop3A_545 = arith.subi %parallel_loop3A_543, %parallel_loop3A_544 : vector<16xi32>
        %parallel_loop3A_546 = tpu.dynamic_gather %parallel_loop3A_541[%parallel_loop3A_545] in [0] : vector<16xf32>, vector<16xi32> -> vector<16xf32>
        %parallel_loop3A_547 = arith.constant 0 : i32
        %parallel_loop3A_548 = arith.index_cast %parallel_loop3A_547 : i32 to index
        %parallel_loop3A_549 = arith.index_cast %parallel_loop3A_431 : i32 to index
        %parallel_loop3A_550 = arith.constant 0 : index
        %parallel_loop3A_551 = tpu.vector_load %arg6[%parallel_loop3A_548, %parallel_loop3A_549, %parallel_loop3A_550] {strides = array<i32>} : memref<2x128x128xf32, #tpu.memory_space<vmem>>, vector<16xf32>,
        tpu.vector_store %arg6[%parallel_loop3A_548, %parallel_loop3A_549, %parallel_loop3A_550], %parallel_loop3A_546 {strides = array<i32>} : memref<2x128x128xf32, #tpu.memory_space<vmem>>, vector<16xf32>,
      } {sc.loop_unroll_factor = 1 : i64, sc.parallel_access}
      %mul3A_346 = arith.constant 16 : i32
      %mul3A_347 = arith.muli %add3A, %mul3A_346 : i32
      %add3A_348 = arith.addi %mul3A_347, %mul3A_323 : i32
      %mul3A_349 = arith.constant 128 : i32
      %mul3A_350 = arith.muli %add3A_348, %mul3A_349 : i32
      %dma_start3A_351 = arith.constant 0 : i32
      %dma_start3A_352 = arith.constant 0 : i32
      %dma_start3A_353 = arith.constant 0 : i32
      %dma_start3A_354 = arith.constant 0 : i32
      %dma_start3A_355 = tpu.memref_slice %arg6[%dma_start3A_351, %dma_start3A_353, %dma_start3A_354] : memref<2x128x128xf32, #tpu.memory_space<vmem>> -> memref<1x128x128xf32, #tpu.memory_space<vmem>>
      %dma_start3A_356 = tpu.memref_squeeze %dma_start3A_355 : memref<1x128x128xf32, #tpu.memory_space<vmem>> -> memref<128x128xf32, #tpu.memory_space<vmem>>
      %dma_start3A_357 = arith.constant 0 : i32
      %dma_start3A_358 = tpu.memref_slice %arg3[%mul3A_350, %dma_start3A_357] : memref<65536x128xf32, #tpu.memory_space<hbm>> -> memref<128x128xf32, #tpu.memory_space<hbm>>
      %dma_start3A_359 = tpu.memref_slice %arg8[%dma_start3A_352] : memref<2x!tpu.dma_semaphore, #tpu.memory_space<semaphore_mem>> -> memref<1x!tpu.dma_semaphore, #tpu.memory_space<semaphore_mem>>
      %dma_start3A_360 = tpu.memref_squeeze %dma_start3A_359 : memref<1x!tpu.dma_semaphore, #tpu.memory_space<semaphore_mem>> -> memref<!tpu.dma_semaphore, #tpu.memory_space<semaphore_mem>>
      %dma_start3A_361 = arith.constant 0 : i32
      %dma_start3A_362 = tpu.memref_slice %arg3[%mul3A_350, %dma_start3A_361] : memref<65536x128xf32, #tpu.memory_space<hbm>> -> memref<128x128xf32, #tpu.memory_space<hbm>>
      %dma_start3A_363 = arith.constant 0 : i32
      %dma_start3A_364 = arith.constant 0 : i32
      %dma_start3A_365 = tpu.memref_slice %arg6[%dma_start3A_351, %dma_start3A_363, %dma_start3A_364] : memref<2x128x128xf32, #tpu.memory_space<vmem>> -> memref<1x128x128xf32, #tpu.memory_space<vmem>>
      %dma_start3A_366 = tpu.memref_squeeze %dma_start3A_365 : memref<1x128x128xf32, #tpu.memory_space<vmem>> -> memref<128x128xf32, #tpu.memory_space<vmem>>
      tpu.enqueue_dma source(%dma_start3A_366 : memref<128x128xf32, #tpu.memory_space<vmem>>) target(%dma_start3A_362 : memref<128x128xf32, #tpu.memory_space<hbm>>) target_semaphore(%dma_start3A_360 : memref<!tpu.dma_semaphore, #tpu.memory_space<semaphore_mem>>)
      %add3A_367 = arith.constant 2 : i32
      %add3A_368 = arith.addi %mul3A_323, %add3A_367 : i32
      %lt3A = arith.constant 16 : i32
      %lt3A_369 = arith.cmpi slt, %add3A_368, %lt3A : i32
      %convert_element_type3A_370 = arith.extui %lt3A_369 : i1 to i32
      %cond3A_371 = arith.constant 0 : i32
      %cond3A_372 = arith.cmpi ne, %convert_element_type3A_370, %cond3A_371 : i32
      scf.if %cond3A_372 {
        %add3A_431 = arith.constant 2 : i32
        %add3A_432 = arith.addi %mul3A_323, %add3A_431 : i32
        %mul3A_433 = arith.constant 16 : i32
        %mul3A_434 = arith.muli %add3A, %mul3A_433 : i32
        %add3A_435 = arith.addi %mul3A_434, %add3A_432 : i32
        %jit3A_436 = arith.constant 128 : i32
        %div3A_437 = arith.divsi %add3A_435, %jit3A_436 : i32
        %sign3A_438 = arith.constant 0 : i32
        %sign3A_439 = arith.cmpi sgt, %add3A_435, %sign3A_438 : i32
        %sign3A_440 = arith.extui %sign3A_439 : i1 to i32
        %sign3A_441 = arith.constant 0 : i32
        %sign3A_442 = arith.cmpi slt, %add3A_435, %sign3A_441 : i32
        %sign3A_443 = arith.extui %sign3A_442 : i1 to i32
        %sign3A_444 = arith.subi %sign3A_440, %sign3A_443 : i32
        %sign3A_445 = arith.constant 0 : i32
        %sign3A_446 = arith.cmpi sgt, %jit3A_436, %sign3A_445 : i32
        %sign3A_447 = arith.extui %sign3A_446 : i1 to i32
        %sign3A_448 = arith.constant 0 : i32
        %sign3A_449 = arith.cmpi slt, %jit3A_436, %sign3A_448 : i32
        %sign3A_450 = arith.extui %sign3A_449 : i1 to i32
        %sign3A_451 = arith.subi %sign3A_447, %sign3A_450 : i32
        %ne3A_452 = arith.cmpi ne, %sign3A_444, %sign3A_451 : i32
        %rem3A_453 = arith.remsi %add3A_435, %jit3A_436 : i32
        %ne3A_454 = arith.constant 0 : i32
        %ne3A_455 = arith.cmpi ne, %rem3A_453, %ne3A_454 : i32
        %and3A_456 = arith.andi %ne3A_452, %ne3A_455 : i1
        %sub3A_457 = arith.constant 1 : i32
        %sub3A_458 = arith.subi %div3A_437, %sub3A_457 : i32
        %select_n3A_459 = arith.select %and3A_456, %sub3A_458, %div3A_437 : i32
        %mul3A_460 = arith.constant 128 : i32
        %mul3A_461 = arith.muli %select_n3A_459, %mul3A_460 : i32
        %sub3A_462 = arith.subi %add3A_435, %mul3A_461 : i32
        %mul3A_463 = arith.constant 16384 : i32
        %mul3A_464 = arith.muli %select_n3A_459, %mul3A_463 : i32
        %add3A_465 = arith.addi %mul3A_464, %sub3A_462 : i32
        %add3A_466 = arith.constant 0 : i32
        %add3A_467 = vector.broadcast %add3A_466 : i32 to vector<16xi32>
        %add3A_468 = arith.addi %add3A_467, %iota3A : vector<16xi32>
        %mul3A_469 = arith.constant 128 : i32
        %mul3A_470 = vector.broadcast %mul3A_469 : i32 to vector<16xi32>
        %mul3A_471 = arith.muli %mul3A_470, %add3A_468 : vector<16xi32>
        %add3A_472 = vector.broadcast %add3A_465 : i32 to vector<16xi32>
        %add3A_473 = arith.addi %add3A_472, %mul3A_471 : vector<16xi32>
        %swap3A_474 = arith.constant 0 : i32
        %swap3A_475 = arith.index_cast %swap3A_474 : i32 to index
        %swap3A_476 = arith.constant 0 : index
        %swap3A_477 = tpu.vector_load %arg4[%swap3A_475, %swap3A_476] {strides = array<i32>} : memref<2x128xi32, #tpu.memory_space<vmem>>, vector<16xi32>,
        tpu.vector_store %arg4[%swap3A_475, %swap3A_476], %add3A_473 {strides = array<i32>} : memref<2x128xi32, #tpu.memory_space<vmem>>, vector<16xi32>,
        %add3A_478 = arith.constant 16 : i32
        %add3A_479 = vector.broadcast %add3A_478 : i32 to vector<16xi32>
        %add3A_480 = arith.addi %add3A_479, %iota3A : vector<16xi32>
        %mul3A_481 = arith.constant 128 : i32
        %mul3A_482 = vector.broadcast %mul3A_481 : i32 to vector<16xi32>
        %mul3A_483 = arith.muli %mul3A_482, %add3A_480 : vector<16xi32>
        %add3A_484 = vector.broadcast %add3A_465 : i32 to vector<16xi32>
        %add3A_485 = arith.addi %add3A_484, %mul3A_483 : vector<16xi32>
        %swap3A_486 = arith.constant 0 : i32
        %swap3A_487 = arith.index_cast %swap3A_486 : i32 to index
        %swap3A_488 = arith.constant 16 : index
        %swap3A_489 = tpu.vector_load %arg4[%swap3A_487, %swap3A_488] {strides = array<i32>} : memref<2x128xi32, #tpu.memory_space<vmem>>, vector<16xi32>,
        tpu.vector_store %arg4[%swap3A_487, %swap3A_488], %add3A_485 {strides = array<i32>} : memref<2x128xi32, #tpu.memory_space<vmem>>, vector<16xi32>,
        %add3A_490 = arith.constant 32 : i32
        %add3A_491 = vector.broadcast %add3A_490 : i32 to vector<16xi32>
        %add3A_492 = arith.addi %add3A_491, %iota3A : vector<16xi32>
        %mul3A_493 = arith.constant 128 : i32
        %mul3A_494 = vector.broadcast %mul3A_493 : i32 to vector<16xi32>
        %mul3A_495 = arith.muli %mul3A_494, %add3A_492 : vector<16xi32>
        %add3A_496 = vector.broadcast %add3A_465 : i32 to vector<16xi32>
        %add3A_497 = arith.addi %add3A_496, %mul3A_495 : vector<16xi32>
        %swap3A_498 = arith.constant 0 : i32
        %swap3A_499 = arith.index_cast %swap3A_498 : i32 to index
        %swap3A_500 = arith.constant 32 : index
        %swap3A_501 = tpu.vector_load %arg4[%swap3A_499, %swap3A_500] {strides = array<i32>} : memref<2x128xi32, #tpu.memory_space<vmem>>, vector<16xi32>,
        tpu.vector_store %arg4[%swap3A_499, %swap3A_500], %add3A_497 {strides = array<i32>} : memref<2x128xi32, #tpu.memory_space<vmem>>, vector<16xi32>,
        %add3A_502 = arith.constant 48 : i32
        %add3A_503 = vector.broadcast %add3A_502 : i32 to vector<16xi32>
        %add3A_504 = arith.addi %add3A_503, %iota3A : vector<16xi32>
        %mul3A_505 = arith.constant 128 : i32
        %mul3A_506 = vector.broadcast %mul3A_505 : i32 to vector<16xi32>
        %mul3A_507 = arith.muli %mul3A_506, %add3A_504 : vector<16xi32>
        %add3A_508 = vector.broadcast %add3A_465 : i32 to vector<16xi32>
        %add3A_509 = arith.addi %add3A_508, %mul3A_507 : vector<16xi32>
        %swap3A_510 = arith.constant 0 : i32
        %swap3A_511 = arith.index_cast %swap3A_510 : i32 to index
        %swap3A_512 = arith.constant 48 : index
        %swap3A_513 = tpu.vector_load %arg4[%swap3A_511, %swap3A_512] {strides = array<i32>} : memref<2x128xi32, #tpu.memory_space<vmem>>, vector<16xi32>,
        tpu.vector_store %arg4[%swap3A_511, %swap3A_512], %add3A_509 {strides = array<i32>} : memref<2x128xi32, #tpu.memory_space<vmem>>, vector<16xi32>,
        %add3A_514 = arith.constant 64 : i32
        %add3A_515 = vector.broadcast %add3A_514 : i32 to vector<16xi32>
        %add3A_516 = arith.addi %add3A_515, %iota3A : vector<16xi32>
        %mul3A_517 = arith.constant 128 : i32
        %mul3A_518 = vector.broadcast %mul3A_517 : i32 to vector<16xi32>
        %mul3A_519 = arith.muli %mul3A_518, %add3A_516 : vector<16xi32>
        %add3A_520 = vector.broadcast %add3A_465 : i32 to vector<16xi32>
        %add3A_521 = arith.addi %add3A_520, %mul3A_519 : vector<16xi32>
        %swap3A_522 = arith.constant 0 : i32
        %swap3A_523 = arith.index_cast %swap3A_522 : i32 to index
        %swap3A_524 = arith.constant 64 : index
        %swap3A_525 = tpu.vector_load %arg4[%swap3A_523, %swap3A_524] {strides = array<i32>} : memref<2x128xi32, #tpu.memory_space<vmem>>, vector<16xi32>,
        tpu.vector_store %arg4[%swap3A_523, %swap3A_524], %add3A_521 {strides = array<i32>} : memref<2x128xi32, #tpu.memory_space<vmem>>, vector<16xi32>,
        %add3A_526 = arith.constant 80 : i32
        %add3A_527 = vector.broadcast %add3A_526 : i32 to vector<16xi32>
        %add3A_528 = arith.addi %add3A_527, %iota3A : vector<16xi32>
        %mul3A_529 = arith.constant 128 : i32
        %mul3A_530 = vector.broadcast %mul3A_529 : i32 to vector<16xi32>
        %mul3A_531 = arith.muli %mul3A_530, %add3A_528 : vector<16xi32>
        %add3A_532 = vector.broadcast %add3A_465 : i32 to vector<16xi32>
        %add3A_533 = arith.addi %add3A_532, %mul3A_531 : vector<16xi32>
        %swap3A_534 = arith.constant 0 : i32
        %swap3A_535 = arith.index_cast %swap3A_534 : i32 to index
        %swap3A_536 = arith.constant 80 : index
        %swap3A_537 = tpu.vector_load %arg4[%swap3A_535, %swap3A_536] {strides = array<i32>} : memref<2x128xi32, #tpu.memory_space<vmem>>, vector<16xi32>,
        tpu.vector_store %arg4[%swap3A_535, %swap3A_536], %add3A_533 {strides = array<i32>} : memref<2x128xi32, #tpu.memory_space<vmem>>, vector<16xi32>,
        %add3A_538 = arith.constant 96 : i32
        %add3A_539 = vector.broadcast %add3A_538 : i32 to vector<16xi32>
        %add3A_540 = arith.addi %add3A_539, %iota3A : vector<16xi32>
        %mul3A_541 = arith.constant 128 : i32
        %mul3A_542 = vector.broadcast %mul3A_541 : i32 to vector<16xi32>
        %mul3A_543 = arith.muli %mul3A_542, %add3A_540 : vector<16xi32>
        %add3A_544 = vector.broadcast %add3A_465 : i32 to vector<16xi32>
        %add3A_545 = arith.addi %add3A_544, %mul3A_543 : vector<16xi32>
        %swap3A_546 = arith.constant 0 : i32
        %swap3A_547 = arith.index_cast %swap3A_546 : i32 to index
        %swap3A_548 = arith.constant 96 : index
        %swap3A_549 = tpu.vector_load %arg4[%swap3A_547, %swap3A_548] {strides = array<i32>} : memref<2x128xi32, #tpu.memory_space<vmem>>, vector<16xi32>,
        tpu.vector_store %arg4[%swap3A_547, %swap3A_548], %add3A_545 {strides = array<i32>} : memref<2x128xi32, #tpu.memory_space<vmem>>, vector<16xi32>,
        %add3A_550 = arith.constant 112 : i32
        %add3A_551 = vector.broadcast %add3A_550 : i32 to vector<16xi32>
        %add3A_552 = arith.addi %add3A_551, %iota3A : vector<16xi32>
        %mul3A_553 = arith.constant 128 : i32
        %mul3A_554 = vector.broadcast %mul3A_553 : i32 to vector<16xi32>
        %mul3A_555 = arith.muli %mul3A_554, %add3A_552 : vector<16xi32>
        %add3A_556 = vector.broadcast %add3A_465 : i32 to vector<16xi32>
        %add3A_557 = arith.addi %add3A_556, %mul3A_555 : vector<16xi32>
        %swap3A_558 = arith.constant 0 : i32
        %swap3A_559 = arith.index_cast %swap3A_558 : i32 to index
        %swap3A_560 = arith.constant 112 : index
        %swap3A_561 = tpu.vector_load %arg4[%swap3A_559, %swap3A_560] {strides = array<i32>} : memref<2x128xi32, #tpu.memory_space<vmem>>, vector<16xi32>,
        tpu.vector_store %arg4[%swap3A_559, %swap3A_560], %add3A_557 {strides = array<i32>} : memref<2x128xi32, #tpu.memory_space<vmem>>, vector<16xi32>,
        %dma_start3A_562 = arith.constant 0 : i32
        %dma_start3A_563 = arith.constant 0 : i32
        %dma_start3A_564 = arith.constant 0 : i32
        %dma_start3A_565 = arith.constant 0 : i32
        %dma_start3A_566 = arith.constant 0 : i32
        %dma_start3A_567 = tpu.memref_slice %arg5[%dma_start3A_563, %dma_start3A_565, %dma_start3A_566] : memref<2x128x128xf32, #tpu.memory_space<vmem>> -> memref<1x128x128xf32, #tpu.memory_space<vmem>>
        %dma_start3A_568 = tpu.memref_squeeze %dma_start3A_567 : memref<1x128x128xf32, #tpu.memory_space<vmem>> -> memref<128x128xf32, #tpu.memory_space<vmem>>
        %dma_start3A_569 = arith.constant 0 : i32
        %dma_start3A_570 = tpu.memref_slice %arg4[%dma_start3A_562, %dma_start3A_569] : memref<2x128xi32, #tpu.memory_space<vmem>> -> memref<1x128xi32, #tpu.memory_space<vmem>>
        %dma_start3A_571 = tpu.memref_squeeze %dma_start3A_570 : memref<1x128xi32, #tpu.memory_space<vmem>> -> memref<128xi32, #tpu.memory_space<vmem>>
        %dma_start3A_572 = arith.constant 0 : i32
        %dma_start3A_573 = arith.constant 0 : i32
        %dma_start3A_574 = tpu.memref_slice %arg2[%dma_start3A_572, %dma_start3A_573] : memref<65536x128xf32, #tpu.memory_space<hbm>> -> memref<65536x128xf32, #tpu.memory_space<hbm>>
        %dma_start3A_575 = tpu.memref_slice %arg7[%dma_start3A_564] : memref<2x!tpu.dma_semaphore, #tpu.memory_space<semaphore_mem>> -> memref<1x!tpu.dma_semaphore, #tpu.memory_space<semaphore_mem>>
        %dma_start3A_576 = tpu.memref_squeeze %dma_start3A_575 : memref<1x!tpu.dma_semaphore, #tpu.memory_space<semaphore_mem>> -> memref<!tpu.dma_semaphore, #tpu.memory_space<semaphore_mem>>
        tpu.enqueue_indirect_dma source(%dma_start3A_574 : memref<65536x128xf32, #tpu.memory_space<hbm>>) target(%dma_start3A_568 : memref<128x128xf32, #tpu.memory_space<vmem>>) offsets(%dma_start3A_571 : memref<128xi32, #tpu.memory_space<vmem>>) semaphore(%dma_start3A_576 : memref<!tpu.dma_semaphore, #tpu.memory_space<semaphore_mem>>)
      } else {
      }
      %mul3A_373 = arith.constant 2 : i32
      %mul3A_374 = arith.muli %mul3A_373, %scan3A_321 : i32
      %add3A_375 = arith.constant 1 : i32
      %add3A_376 = arith.addi %mul3A_374, %add3A_375 : i32
      %dma_wait3A_377 = arith.constant 1 : i32
      %dma_wait3A_378 = arith.constant 1 : i32
      %dma_wait3A_379 = arith.constant 0 : i32
      %dma_wait3A_380 = arith.constant 0 : i32
      %dma_wait3A_381 = tpu.memref_slice %arg5[%dma_wait3A_377, %dma_wait3A_379, %dma_wait3A_380] : memref<2x128x128xf32, #tpu.memory_space<vmem>> -> memref<1x128x128xf32, #tpu.memory_space<vmem>>
      %dma_wait3A_382 = tpu.memref_squeeze %dma_wait3A_381 : memref<1x128x128xf32, #tpu.memory_space<vmem>> -> memref<128x128xf32, #tpu.memory_space<vmem>>
      %dma_wait3A_383 = arith.constant 0 : i32
      %dma_wait3A_384 = arith.constant 0 : i32
      %dma_wait3A_385 = tpu.memref_slice %arg2[%dma_wait3A_383, %dma_wait3A_384] : memref<65536x128xf32, #tpu.memory_space<hbm>> -> memref<128x128xf32, #tpu.memory_space<hbm>>
      %dma_wait3A_386 = tpu.memref_slice %arg7[%dma_wait3A_378] : memref<2x!tpu.dma_semaphore, #tpu.memory_space<semaphore_mem>> -> memref<1x!tpu.dma_semaphore, #tpu.memory_space<semaphore_mem>>
      %dma_wait3A_387 = tpu.memref_squeeze %dma_wait3A_386 : memref<1x!tpu.dma_semaphore, #tpu.memory_space<semaphore_mem>> -> memref<!tpu.dma_semaphore, #tpu.memory_space<semaphore_mem>>
      %dma_wait3A_388 = arith.constant 0 : i32
      %dma_wait3A_389 = arith.constant 0 : i32
      %dma_wait3A_390 = tpu.memref_slice %arg5[%dma_wait3A_377, %dma_wait3A_388, %dma_wait3A_389] : memref<2x128x128xf32, #tpu.memory_space<vmem>> -> memref<1x128x128xf32, #tpu.memory_space<vmem>>
      %dma_wait3A_391 = tpu.memref_squeeze %dma_wait3A_390 : memref<1x128x128xf32, #tpu.memory_space<vmem>> -> memref<128x128xf32, #tpu.memory_space<vmem>>
      %dma_wait3A_392 = arith.constant 0 : i32
      %dma_wait3A_393 = arith.constant 0 : i32
      %dma_wait3A_394 = tpu.memref_slice %arg2[%dma_wait3A_392, %dma_wait3A_393] : memref<65536x128xf32, #tpu.memory_space<hbm>> -> memref<128x128xf32, #tpu.memory_space<hbm>>
      tpu.wait_dma2 semaphore(%dma_wait3A_387 : memref<!tpu.dma_semaphore, #tpu.memory_space<semaphore_mem>>) src(%dma_wait3A_394 : memref<128x128xf32, #tpu.memory_space<hbm>>) dst(%dma_wait3A_391 : memref<128x128xf32, #tpu.memory_space<vmem>>)
      %ge3A_395 = arith.constant 1 : i32
      %ge3A_396 = arith.cmpi sge, %scan3A_321, %ge3A_395 : i32
      %convert_element_type3A_397 = arith.extui %ge3A_396 : i1 to i32
      %cond3A_398 = arith.constant 0 : i32
      %cond3A_399 = arith.cmpi ne, %convert_element_type3A_397, %cond3A_398 : i32
      scf.if %cond3A_399 {
        %dma_wait3A_431 = arith.constant 1 : i32
        %dma_wait3A_432 = arith.constant 1 : i32
        %dma_wait3A_433 = arith.constant 0 : i32
        %dma_wait3A_434 = arith.constant 0 : i32
        %dma_wait3A_435 = tpu.memref_slice %arg6[%dma_wait3A_431, %dma_wait3A_433, %dma_wait3A_434] : memref<2x128x128xf32, #tpu.memory_space<vmem>> -> memref<1x128x128xf32, #tpu.memory_space<vmem>>
        %dma_wait3A_436 = tpu.memref_squeeze %dma_wait3A_435 : memref<1x128x128xf32, #tpu.memory_space<vmem>> -> memref<128x128xf32, #tpu.memory_space<vmem>>
        %dma_wait3A_437 = arith.constant 0 : i32
        %dma_wait3A_438 = arith.constant 0 : i32
        %dma_wait3A_439 = tpu.memref_slice %arg3[%dma_wait3A_437, %dma_wait3A_438] : memref<65536x128xf32, #tpu.memory_space<hbm>> -> memref<128x128xf32, #tpu.memory_space<hbm>>
        %dma_wait3A_440 = tpu.memref_slice %arg8[%dma_wait3A_432] : memref<2x!tpu.dma_semaphore, #tpu.memory_space<semaphore_mem>> -> memref<1x!tpu.dma_semaphore, #tpu.memory_space<semaphore_mem>>
        %dma_wait3A_441 = tpu.memref_squeeze %dma_wait3A_440 : memref<1x!tpu.dma_semaphore, #tpu.memory_space<semaphore_mem>> -> memref<!tpu.dma_semaphore, #tpu.memory_space<semaphore_mem>>
        %dma_wait3A_442 = arith.constant 0 : i32
        %dma_wait3A_443 = arith.constant 0 : i32
        %dma_wait3A_444 = tpu.memref_slice %arg3[%dma_wait3A_442, %dma_wait3A_443] : memref<65536x128xf32, #tpu.memory_space<hbm>> -> memref<128x128xf32, #tpu.memory_space<hbm>>
        %dma_wait3A_445 = arith.constant 0 : i32
        %dma_wait3A_446 = arith.constant 0 : i32
        %dma_wait3A_447 = tpu.memref_slice %arg6[%dma_wait3A_431, %dma_wait3A_445, %dma_wait3A_446] : memref<2x128x128xf32, #tpu.memory_space<vmem>> -> memref<1x128x128xf32, #tpu.memory_space<vmem>>
        %dma_wait3A_448 = tpu.memref_squeeze %dma_wait3A_447 : memref<1x128x128xf32, #tpu.memory_space<vmem>> -> memref<128x128xf32, #tpu.memory_space<vmem>>
        tpu.wait_dma2 semaphore(%dma_wait3A_441 : memref<!tpu.dma_semaphore, #tpu.memory_space<semaphore_mem>>) src(%dma_wait3A_448 : memref<128x128xf32, #tpu.memory_space<vmem>>) dst(%dma_wait3A_444 : memref<128x128xf32, #tpu.memory_space<hbm>>)
      } else {
      }
      %parallel_loop3A_400 = arith.constant 0 : i32
      %parallel_loop3A_401 = arith.constant 128 : i32
      %parallel_loop3A_402 = arith.constant 1 : i32
      scf.for %parallel_loop3A_431 = %parallel_loop3A_400 to %parallel_loop3A_401 step %parallel_loop3A_402  : i32 {
        %parallel_loop3A_432 = arith.constant 1 : i32
        %parallel_loop3A_433 = arith.index_cast %parallel_loop3A_432 : i32 to index
        %parallel_loop3A_434 = arith.index_cast %parallel_loop3A_431 : i32 to index
        %parallel_loop3A_435 = arith.constant 0 : index
        %parallel_loop3A_436 = tpu.vector_load %arg5[%parallel_loop3A_433, %parallel_loop3A_434, %parallel_loop3A_435] {strides = array<i32>} : memref<2x128x128xf32, #tpu.memory_space<vmem>>, vector<16xf32>,
        %parallel_loop3A_437 = arith.constant 15 : i32
        %parallel_loop3A_438 = vector.broadcast %parallel_loop3A_437 : i32 to vector<16xi32>
        %parallel_loop3A_439 = tpu.iota {dimensions = array<i32: 0>} : vector<16xi32>
        %parallel_loop3A_440 = arith.subi %parallel_loop3A_438, %parallel_loop3A_439 : vector<16xi32>
        %parallel_loop3A_441 = tpu.dynamic_gather %parallel_loop3A_436[%parallel_loop3A_440] in [0] : vector<16xf32>, vector<16xi32> -> vector<16xf32>
        %parallel_loop3A_442 = arith.constant 1 : i32
        %parallel_loop3A_443 = arith.index_cast %parallel_loop3A_442 : i32 to index
        %parallel_loop3A_444 = arith.index_cast %parallel_loop3A_431 : i32 to index
        %parallel_loop3A_445 = arith.constant 112 : index
        %parallel_loop3A_446 = tpu.vector_load %arg6[%parallel_loop3A_443, %parallel_loop3A_444, %parallel_loop3A_445] {strides = array<i32>} : memref<2x128x128xf32, #tpu.memory_space<vmem>>, vector<16xf32>,
        tpu.vector_store %arg6[%parallel_loop3A_443, %parallel_loop3A_444, %parallel_loop3A_445], %parallel_loop3A_441 {strides = array<i32>} : memref<2x128x128xf32, #tpu.memory_space<vmem>>, vector<16xf32>,
        %parallel_loop3A_447 = arith.constant 1 : i32
        %parallel_loop3A_448 = arith.index_cast %parallel_loop3A_447 : i32 to index
        %parallel_loop3A_449 = arith.index_cast %parallel_loop3A_431 : i32 to index
        %parallel_loop3A_450 = arith.constant 16 : index
        %parallel_loop3A_451 = tpu.vector_load %arg5[%parallel_loop3A_448, %parallel_loop3A_449, %parallel_loop3A_450] {strides = array<i32>} : memref<2x128x128xf32, #tpu.memory_space<vmem>>, vector<16xf32>,
        %parallel_loop3A_452 = arith.constant 15 : i32
        %parallel_loop3A_453 = vector.broadcast %parallel_loop3A_452 : i32 to vector<16xi32>
        %parallel_loop3A_454 = tpu.iota {dimensions = array<i32: 0>} : vector<16xi32>
        %parallel_loop3A_455 = arith.subi %parallel_loop3A_453, %parallel_loop3A_454 : vector<16xi32>
        %parallel_loop3A_456 = tpu.dynamic_gather %parallel_loop3A_451[%parallel_loop3A_455] in [0] : vector<16xf32>, vector<16xi32> -> vector<16xf32>
        %parallel_loop3A_457 = arith.constant 1 : i32
        %parallel_loop3A_458 = arith.index_cast %parallel_loop3A_457 : i32 to index
        %parallel_loop3A_459 = arith.index_cast %parallel_loop3A_431 : i32 to index
        %parallel_loop3A_460 = arith.constant 96 : index
        %parallel_loop3A_461 = tpu.vector_load %arg6[%parallel_loop3A_458, %parallel_loop3A_459, %parallel_loop3A_460] {strides = array<i32>} : memref<2x128x128xf32, #tpu.memory_space<vmem>>, vector<16xf32>,
        tpu.vector_store %arg6[%parallel_loop3A_458, %parallel_loop3A_459, %parallel_loop3A_460], %parallel_loop3A_456 {strides = array<i32>} : memref<2x128x128xf32, #tpu.memory_space<vmem>>, vector<16xf32>,
        %parallel_loop3A_462 = arith.constant 1 : i32
        %parallel_loop3A_463 = arith.index_cast %parallel_loop3A_462 : i32 to index
        %parallel_loop3A_464 = arith.index_cast %parallel_loop3A_431 : i32 to index
        %parallel_loop3A_465 = arith.constant 32 : index
        %parallel_loop3A_466 = tpu.vector_load %arg5[%parallel_loop3A_463, %parallel_loop3A_464, %parallel_loop3A_465] {strides = array<i32>} : memref<2x128x128xf32, #tpu.memory_space<vmem>>, vector<16xf32>,
        %parallel_loop3A_467 = arith.constant 15 : i32
        %parallel_loop3A_468 = vector.broadcast %parallel_loop3A_467 : i32 to vector<16xi32>
        %parallel_loop3A_469 = tpu.iota {dimensions = array<i32: 0>} : vector<16xi32>
        %parallel_loop3A_470 = arith.subi %parallel_loop3A_468, %parallel_loop3A_469 : vector<16xi32>
        %parallel_loop3A_471 = tpu.dynamic_gather %parallel_loop3A_466[%parallel_loop3A_470] in [0] : vector<16xf32>, vector<16xi32> -> vector<16xf32>
        %parallel_loop3A_472 = arith.constant 1 : i32
        %parallel_loop3A_473 = arith.index_cast %parallel_loop3A_472 : i32 to index
        %parallel_loop3A_474 = arith.index_cast %parallel_loop3A_431 : i32 to index
        %parallel_loop3A_475 = arith.constant 80 : index
        %parallel_loop3A_476 = tpu.vector_load %arg6[%parallel_loop3A_473, %parallel_loop3A_474, %parallel_loop3A_475] {strides = array<i32>} : memref<2x128x128xf32, #tpu.memory_space<vmem>>, vector<16xf32>,
        tpu.vector_store %arg6[%parallel_loop3A_473, %parallel_loop3A_474, %parallel_loop3A_475], %parallel_loop3A_471 {strides = array<i32>} : memref<2x128x128xf32, #tpu.memory_space<vmem>>, vector<16xf32>,
        %parallel_loop3A_477 = arith.constant 1 : i32
        %parallel_loop3A_478 = arith.index_cast %parallel_loop3A_477 : i32 to index
        %parallel_loop3A_479 = arith.index_cast %parallel_loop3A_431 : i32 to index
        %parallel_loop3A_480 = arith.constant 48 : index
        %parallel_loop3A_481 = tpu.vector_load %arg5[%parallel_loop3A_478, %parallel_loop3A_479, %parallel_loop3A_480] {strides = array<i32>} : memref<2x128x128xf32, #tpu.memory_space<vmem>>, vector<16xf32>,
        %parallel_loop3A_482 = arith.constant 15 : i32
        %parallel_loop3A_483 = vector.broadcast %parallel_loop3A_482 : i32 to vector<16xi32>
        %parallel_loop3A_484 = tpu.iota {dimensions = array<i32: 0>} : vector<16xi32>
        %parallel_loop3A_485 = arith.subi %parallel_loop3A_483, %parallel_loop3A_484 : vector<16xi32>
        %parallel_loop3A_486 = tpu.dynamic_gather %parallel_loop3A_481[%parallel_loop3A_485] in [0] : vector<16xf32>, vector<16xi32> -> vector<16xf32>
        %parallel_loop3A_487 = arith.constant 1 : i32
        %parallel_loop3A_488 = arith.index_cast %parallel_loop3A_487 : i32 to index
        %parallel_loop3A_489 = arith.index_cast %parallel_loop3A_431 : i32 to index
        %parallel_loop3A_490 = arith.constant 64 : index
        %parallel_loop3A_491 = tpu.vector_load %arg6[%parallel_loop3A_488, %parallel_loop3A_489, %parallel_loop3A_490] {strides = array<i32>} : memref<2x128x128xf32, #tpu.memory_space<vmem>>, vector<16xf32>,
        tpu.vector_store %arg6[%parallel_loop3A_488, %parallel_loop3A_489, %parallel_loop3A_490], %parallel_loop3A_486 {strides = array<i32>} : memref<2x128x128xf32, #tpu.memory_space<vmem>>, vector<16xf32>,
        %parallel_loop3A_492 = arith.constant 1 : i32
        %parallel_loop3A_493 = arith.index_cast %parallel_loop3A_492 : i32 to index
        %parallel_loop3A_494 = arith.index_cast %parallel_loop3A_431 : i32 to index
        %parallel_loop3A_495 = arith.constant 64 : index
        %parallel_loop3A_496 = tpu.vector_load %arg5[%parallel_loop3A_493, %parallel_loop3A_494, %parallel_loop3A_495] {strides = array<i32>} : memref<2x128x128xf32, #tpu.memory_space<vmem>>, vector<16xf32>,
        %parallel_loop3A_497 = arith.constant 15 : i32
        %parallel_loop3A_498 = vector.broadcast %parallel_loop3A_497 : i32 to vector<16xi32>
        %parallel_loop3A_499 = tpu.iota {dimensions = array<i32: 0>} : vector<16xi32>
        %parallel_loop3A_500 = arith.subi %parallel_loop3A_498, %parallel_loop3A_499 : vector<16xi32>
        %parallel_loop3A_501 = tpu.dynamic_gather %parallel_loop3A_496[%parallel_loop3A_500] in [0] : vector<16xf32>, vector<16xi32> -> vector<16xf32>
        %parallel_loop3A_502 = arith.constant 1 : i32
        %parallel_loop3A_503 = arith.index_cast %parallel_loop3A_502 : i32 to index
        %parallel_loop3A_504 = arith.index_cast %parallel_loop3A_431 : i32 to index
        %parallel_loop3A_505 = arith.constant 48 : index
        %parallel_loop3A_506 = tpu.vector_load %arg6[%parallel_loop3A_503, %parallel_loop3A_504, %parallel_loop3A_505] {strides = array<i32>} : memref<2x128x128xf32, #tpu.memory_space<vmem>>, vector<16xf32>,
        tpu.vector_store %arg6[%parallel_loop3A_503, %parallel_loop3A_504, %parallel_loop3A_505], %parallel_loop3A_501 {strides = array<i32>} : memref<2x128x128xf32, #tpu.memory_space<vmem>>, vector<16xf32>,
        %parallel_loop3A_507 = arith.constant 1 : i32
        %parallel_loop3A_508 = arith.index_cast %parallel_loop3A_507 : i32 to index
        %parallel_loop3A_509 = arith.index_cast %parallel_loop3A_431 : i32 to index
        %parallel_loop3A_510 = arith.constant 80 : index
        %parallel_loop3A_511 = tpu.vector_load %arg5[%parallel_loop3A_508, %parallel_loop3A_509, %parallel_loop3A_510] {strides = array<i32>} : memref<2x128x128xf32, #tpu.memory_space<vmem>>, vector<16xf32>,
        %parallel_loop3A_512 = arith.constant 15 : i32
        %parallel_loop3A_513 = vector.broadcast %parallel_loop3A_512 : i32 to vector<16xi32>
        %parallel_loop3A_514 = tpu.iota {dimensions = array<i32: 0>} : vector<16xi32>
        %parallel_loop3A_515 = arith.subi %parallel_loop3A_513, %parallel_loop3A_514 : vector<16xi32>
        %parallel_loop3A_516 = tpu.dynamic_gather %parallel_loop3A_511[%parallel_loop3A_515] in [0] : vector<16xf32>, vector<16xi32> -> vector<16xf32>
        %parallel_loop3A_517 = arith.constant 1 : i32
        %parallel_loop3A_518 = arith.index_cast %parallel_loop3A_517 : i32 to index
        %parallel_loop3A_519 = arith.index_cast %parallel_loop3A_431 : i32 to index
        %parallel_loop3A_520 = arith.constant 32 : index
        %parallel_loop3A_521 = tpu.vector_load %arg6[%parallel_loop3A_518, %parallel_loop3A_519, %parallel_loop3A_520] {strides = array<i32>} : memref<2x128x128xf32, #tpu.memory_space<vmem>>, vector<16xf32>,
        tpu.vector_store %arg6[%parallel_loop3A_518, %parallel_loop3A_519, %parallel_loop3A_520], %parallel_loop3A_516 {strides = array<i32>} : memref<2x128x128xf32, #tpu.memory_space<vmem>>, vector<16xf32>,
        %parallel_loop3A_522 = arith.constant 1 : i32
        %parallel_loop3A_523 = arith.index_cast %parallel_loop3A_522 : i32 to index
        %parallel_loop3A_524 = arith.index_cast %parallel_loop3A_431 : i32 to index
        %parallel_loop3A_525 = arith.constant 96 : index
        %parallel_loop3A_526 = tpu.vector_load %arg5[%parallel_loop3A_523, %parallel_loop3A_524, %parallel_loop3A_525] {strides = array<i32>} : memref<2x128x128xf32, #tpu.memory_space<vmem>>, vector<16xf32>,
        %parallel_loop3A_527 = arith.constant 15 : i32
        %parallel_loop3A_528 = vector.broadcast %parallel_loop3A_527 : i32 to vector<16xi32>
        %parallel_loop3A_529 = tpu.iota {dimensions = array<i32: 0>} : vector<16xi32>
        %parallel_loop3A_530 = arith.subi %parallel_loop3A_528, %parallel_loop3A_529 : vector<16xi32>
        %parallel_loop3A_531 = tpu.dynamic_gather %parallel_loop3A_526[%parallel_loop3A_530] in [0] : vector<16xf32>, vector<16xi32> -> vector<16xf32>
        %parallel_loop3A_532 = arith.constant 1 : i32
        %parallel_loop3A_533 = arith.index_cast %parallel_loop3A_532 : i32 to index
        %parallel_loop3A_534 = arith.index_cast %parallel_loop3A_431 : i32 to index
        %parallel_loop3A_535 = arith.constant 16 : index
        %parallel_loop3A_536 = tpu.vector_load %arg6[%parallel_loop3A_533, %parallel_loop3A_534, %parallel_loop3A_535] {strides = array<i32>} : memref<2x128x128xf32, #tpu.memory_space<vmem>>, vector<16xf32>,
        tpu.vector_store %arg6[%parallel_loop3A_533, %parallel_loop3A_534, %parallel_loop3A_535], %parallel_loop3A_531 {strides = array<i32>} : memref<2x128x128xf32, #tpu.memory_space<vmem>>, vector<16xf32>,
        %parallel_loop3A_537 = arith.constant 1 : i32
        %parallel_loop3A_538 = arith.index_cast %parallel_loop3A_537 : i32 to index
        %parallel_loop3A_539 = arith.index_cast %parallel_loop3A_431 : i32 to index
        %parallel_loop3A_540 = arith.constant 112 : index
        %parallel_loop3A_541 = tpu.vector_load %arg5[%parallel_loop3A_538, %parallel_loop3A_539, %parallel_loop3A_540] {strides = array<i32>} : memref<2x128x128xf32, #tpu.memory_space<vmem>>, vector<16xf32>,
        %parallel_loop3A_542 = arith.constant 15 : i32
        %parallel_loop3A_543 = vector.broadcast %parallel_loop3A_542 : i32 to vector<16xi32>
        %parallel_loop3A_544 = tpu.iota {dimensions = array<i32: 0>} : vector<16xi32>
        %parallel_loop3A_545 = arith.subi %parallel_loop3A_543, %parallel_loop3A_544 : vector<16xi32>
        %parallel_loop3A_546 = tpu.dynamic_gather %parallel_loop3A_541[%parallel_loop3A_545] in [0] : vector<16xf32>, vector<16xi32> -> vector<16xf32>
        %parallel_loop3A_547 = arith.constant 1 : i32
        %parallel_loop3A_548 = arith.index_cast %parallel_loop3A_547 : i32 to index
        %parallel_loop3A_549 = arith.index_cast %parallel_loop3A_431 : i32 to index
        %parallel_loop3A_550 = arith.constant 0 : index
        %parallel_loop3A_551 = tpu.vector_load %arg6[%parallel_loop3A_548, %parallel_loop3A_549, %parallel_loop3A_550] {strides = array<i32>} : memref<2x128x128xf32, #tpu.memory_space<vmem>>, vector<16xf32>,
        tpu.vector_store %arg6[%parallel_loop3A_548, %parallel_loop3A_549, %parallel_loop3A_550], %parallel_loop3A_546 {strides = array<i32>} : memref<2x128x128xf32, #tpu.memory_space<vmem>>, vector<16xf32>,
      } {sc.loop_unroll_factor = 1 : i64, sc.parallel_access}
      %mul3A_403 = arith.constant 16 : i32
      %mul3A_404 = arith.muli %add3A, %mul3A_403 : i32
      %add3A_405 = arith.addi %mul3A_404, %add3A_376 : i32
      %mul3A_406 = arith.constant 128 : i32
      %mul3A_407 = arith.muli %add3A_405, %mul3A_406 : i32
      %dma_start3A_408 = arith.constant 1 : i32
      %dma_start3A_409 = arith.constant 1 : i32
      %dma_start3A_410 = arith.constant 0 : i32
      %dma_start3A_411 = arith.constant 0 : i32
      %dma_start3A_412 = tpu.memref_slice %arg6[%dma_start3A_408, %dma_start3A_410, %dma_start3A_411] : memref<2x128x128xf32, #tpu.memory_space<vmem>> -> memref<1x128x128xf32, #tpu.memory_space<vmem>>
      %dma_start3A_413 = tpu.memref_squeeze %dma_start3A_412 : memref<1x128x128xf32, #tpu.memory_space<vmem>> -> memref<128x128xf32, #tpu.memory_space<vmem>>
      %dma_start3A_414 = arith.constant 0 : i32
      %dma_start3A_415 = tpu.memref_slice %arg3[%mul3A_407, %dma_start3A_414] : memref<65536x128xf32, #tpu.memory_space<hbm>> -> memref<128x128xf32, #tpu.memory_space<hbm>>
      %dma_start3A_416 = tpu.memref_slice %arg8[%dma_start3A_409] : memref<2x!tpu.dma_semaphore, #tpu.memory_space<semaphore_mem>> -> memref<1x!tpu.dma_semaphore, #tpu.memory_space<semaphore_mem>>
      %dma_start3A_417 = tpu.memref_squeeze %dma_start3A_416 : memref<1x!tpu.dma_semaphore, #tpu.memory_space<semaphore_mem>> -> memref<!tpu.dma_semaphore, #tpu.memory_space<semaphore_mem>>
      %dma_start3A_418 = arith.constant 0 : i32
      %dma_start3A_419 = tpu.memref_slice %arg3[%mul3A_407, %dma_start3A_418] : memref<65536x128xf32, #tpu.memory_space<hbm>> -> memref<128x128xf32, #tpu.memory_space<hbm>>
      %dma_start3A_420 = arith.constant 0 : i32
      %dma_start3A_421 = arith.constant 0 : i32
      %dma_start3A_422 = tpu.memref_slice %arg6[%dma_start3A_408, %dma_start3A_420, %dma_start3A_421] : memref<2x128x128xf32, #tpu.memory_space<vmem>> -> memref<1x128x128xf32, #tpu.memory_space<vmem>>
      %dma_start3A_423 = tpu.memref_squeeze %dma_start3A_422 : memref<1x128x128xf32, #tpu.memory_space<vmem>> -> memref<128x128xf32, #tpu.memory_space<vmem>>
      tpu.enqueue_dma source(%dma_start3A_423 : memref<128x128xf32, #tpu.memory_space<vmem>>) target(%dma_start3A_419 : memref<128x128xf32, #tpu.memory_space<hbm>>) target_semaphore(%dma_start3A_417 : memref<!tpu.dma_semaphore, #tpu.memory_space<semaphore_mem>>)
      %add3A_424 = arith.constant 2 : i32
      %add3A_425 = arith.addi %add3A_376, %add3A_424 : i32
      %lt3A_426 = arith.constant 16 : i32
      %lt3A_427 = arith.cmpi slt, %add3A_425, %lt3A_426 : i32
      %convert_element_type3A_428 = arith.extui %lt3A_427 : i1 to i32
      %cond3A_429 = arith.constant 0 : i32
      %cond3A_430 = arith.cmpi ne, %convert_element_type3A_428, %cond3A_429 : i32
      scf.if %cond3A_430 {
        %add3A_431 = arith.constant 2 : i32
        %add3A_432 = arith.addi %add3A_376, %add3A_431 : i32
        %mul3A_433 = arith.constant 16 : i32
        %mul3A_434 = arith.muli %add3A, %mul3A_433 : i32
        %add3A_435 = arith.addi %mul3A_434, %add3A_432 : i32
        %jit3A_436 = arith.constant 128 : i32
        %div3A_437 = arith.divsi %add3A_435, %jit3A_436 : i32
        %sign3A_438 = arith.constant 0 : i32
        %sign3A_439 = arith.cmpi sgt, %add3A_435, %sign3A_438 : i32
        %sign3A_440 = arith.extui %sign3A_439 : i1 to i32
        %sign3A_441 = arith.constant 0 : i32
        %sign3A_442 = arith.cmpi slt, %add3A_435, %sign3A_441 : i32
        %sign3A_443 = arith.extui %sign3A_442 : i1 to i32
        %sign3A_444 = arith.subi %sign3A_440, %sign3A_443 : i32
        %sign3A_445 = arith.constant 0 : i32
        %sign3A_446 = arith.cmpi sgt, %jit3A_436, %sign3A_445 : i32
        %sign3A_447 = arith.extui %sign3A_446 : i1 to i32
        %sign3A_448 = arith.constant 0 : i32
        %sign3A_449 = arith.cmpi slt, %jit3A_436, %sign3A_448 : i32
        %sign3A_450 = arith.extui %sign3A_449 : i1 to i32
        %sign3A_451 = arith.subi %sign3A_447, %sign3A_450 : i32
        %ne3A_452 = arith.cmpi ne, %sign3A_444, %sign3A_451 : i32
        %rem3A_453 = arith.remsi %add3A_435, %jit3A_436 : i32
        %ne3A_454 = arith.constant 0 : i32
        %ne3A_455 = arith.cmpi ne, %rem3A_453, %ne3A_454 : i32
        %and3A_456 = arith.andi %ne3A_452, %ne3A_455 : i1
        %sub3A_457 = arith.constant 1 : i32
        %sub3A_458 = arith.subi %div3A_437, %sub3A_457 : i32
        %select_n3A_459 = arith.select %and3A_456, %sub3A_458, %div3A_437 : i32
        %mul3A_460 = arith.constant 128 : i32
        %mul3A_461 = arith.muli %select_n3A_459, %mul3A_460 : i32
        %sub3A_462 = arith.subi %add3A_435, %mul3A_461 : i32
        %mul3A_463 = arith.constant 16384 : i32
        %mul3A_464 = arith.muli %select_n3A_459, %mul3A_463 : i32
        %add3A_465 = arith.addi %mul3A_464, %sub3A_462 : i32
        %add3A_466 = arith.constant 0 : i32
        %add3A_467 = vector.broadcast %add3A_466 : i32 to vector<16xi32>
        %add3A_468 = arith.addi %add3A_467, %iota3A : vector<16xi32>
        %mul3A_469 = arith.constant 128 : i32
        %mul3A_470 = vector.broadcast %mul3A_469 : i32 to vector<16xi32>
        %mul3A_471 = arith.muli %mul3A_470, %add3A_468 : vector<16xi32>
        %add3A_472 = vector.broadcast %add3A_465 : i32 to vector<16xi32>
        %add3A_473 = arith.addi %add3A_472, %mul3A_471 : vector<16xi32>
        %swap3A_474 = arith.constant 1 : i32
        %swap3A_475 = arith.index_cast %swap3A_474 : i32 to index
        %swap3A_476 = arith.constant 0 : index
        %swap3A_477 = tpu.vector_load %arg4[%swap3A_475, %swap3A_476] {strides = array<i32>} : memref<2x128xi32, #tpu.memory_space<vmem>>, vector<16xi32>,
        tpu.vector_store %arg4[%swap3A_475, %swap3A_476], %add3A_473 {strides = array<i32>} : memref<2x128xi32, #tpu.memory_space<vmem>>, vector<16xi32>,
        %add3A_478 = arith.constant 16 : i32
        %add3A_479 = vector.broadcast %add3A_478 : i32 to vector<16xi32>
        %add3A_480 = arith.addi %add3A_479, %iota3A : vector<16xi32>
        %mul3A_481 = arith.constant 128 : i32
        %mul3A_482 = vector.broadcast %mul3A_481 : i32 to vector<16xi32>
        %mul3A_483 = arith.muli %mul3A_482, %add3A_480 : vector<16xi32>
        %add3A_484 = vector.broadcast %add3A_465 : i32 to vector<16xi32>
        %add3A_485 = arith.addi %add3A_484, %mul3A_483 : vector<16xi32>
        %swap3A_486 = arith.constant 1 : i32
        %swap3A_487 = arith.index_cast %swap3A_486 : i32 to index
        %swap3A_488 = arith.constant 16 : index
        %swap3A_489 = tpu.vector_load %arg4[%swap3A_487, %swap3A_488] {strides = array<i32>} : memref<2x128xi32, #tpu.memory_space<vmem>>, vector<16xi32>,
        tpu.vector_store %arg4[%swap3A_487, %swap3A_488], %add3A_485 {strides = array<i32>} : memref<2x128xi32, #tpu.memory_space<vmem>>, vector<16xi32>,
        %add3A_490 = arith.constant 32 : i32
        %add3A_491 = vector.broadcast %add3A_490 : i32 to vector<16xi32>
        %add3A_492 = arith.addi %add3A_491, %iota3A : vector<16xi32>
        %mul3A_493 = arith.constant 128 : i32
        %mul3A_494 = vector.broadcast %mul3A_493 : i32 to vector<16xi32>
        %mul3A_495 = arith.muli %mul3A_494, %add3A_492 : vector<16xi32>
        %add3A_496 = vector.broadcast %add3A_465 : i32 to vector<16xi32>
        %add3A_497 = arith.addi %add3A_496, %mul3A_495 : vector<16xi32>
        %swap3A_498 = arith.constant 1 : i32
        %swap3A_499 = arith.index_cast %swap3A_498 : i32 to index
        %swap3A_500 = arith.constant 32 : index
        %swap3A_501 = tpu.vector_load %arg4[%swap3A_499, %swap3A_500] {strides = array<i32>} : memref<2x128xi32, #tpu.memory_space<vmem>>, vector<16xi32>,
        tpu.vector_store %arg4[%swap3A_499, %swap3A_500], %add3A_497 {strides = array<i32>} : memref<2x128xi32, #tpu.memory_space<vmem>>, vector<16xi32>,
        %add3A_502 = arith.constant 48 : i32
        %add3A_503 = vector.broadcast %add3A_502 : i32 to vector<16xi32>
        %add3A_504 = arith.addi %add3A_503, %iota3A : vector<16xi32>
        %mul3A_505 = arith.constant 128 : i32
        %mul3A_506 = vector.broadcast %mul3A_505 : i32 to vector<16xi32>
        %mul3A_507 = arith.muli %mul3A_506, %add3A_504 : vector<16xi32>
        %add3A_508 = vector.broadcast %add3A_465 : i32 to vector<16xi32>
        %add3A_509 = arith.addi %add3A_508, %mul3A_507 : vector<16xi32>
        %swap3A_510 = arith.constant 1 : i32
        %swap3A_511 = arith.index_cast %swap3A_510 : i32 to index
        %swap3A_512 = arith.constant 48 : index
        %swap3A_513 = tpu.vector_load %arg4[%swap3A_511, %swap3A_512] {strides = array<i32>} : memref<2x128xi32, #tpu.memory_space<vmem>>, vector<16xi32>,
        tpu.vector_store %arg4[%swap3A_511, %swap3A_512], %add3A_509 {strides = array<i32>} : memref<2x128xi32, #tpu.memory_space<vmem>>, vector<16xi32>,
        %add3A_514 = arith.constant 64 : i32
        %add3A_515 = vector.broadcast %add3A_514 : i32 to vector<16xi32>
        %add3A_516 = arith.addi %add3A_515, %iota3A : vector<16xi32>
        %mul3A_517 = arith.constant 128 : i32
        %mul3A_518 = vector.broadcast %mul3A_517 : i32 to vector<16xi32>
        %mul3A_519 = arith.muli %mul3A_518, %add3A_516 : vector<16xi32>
        %add3A_520 = vector.broadcast %add3A_465 : i32 to vector<16xi32>
        %add3A_521 = arith.addi %add3A_520, %mul3A_519 : vector<16xi32>
        %swap3A_522 = arith.constant 1 : i32
        %swap3A_523 = arith.index_cast %swap3A_522 : i32 to index
        %swap3A_524 = arith.constant 64 : index
        %swap3A_525 = tpu.vector_load %arg4[%swap3A_523, %swap3A_524] {strides = array<i32>} : memref<2x128xi32, #tpu.memory_space<vmem>>, vector<16xi32>,
        tpu.vector_store %arg4[%swap3A_523, %swap3A_524], %add3A_521 {strides = array<i32>} : memref<2x128xi32, #tpu.memory_space<vmem>>, vector<16xi32>,
        %add3A_526 = arith.constant 80 : i32
        %add3A_527 = vector.broadcast %add3A_526 : i32 to vector<16xi32>
        %add3A_528 = arith.addi %add3A_527, %iota3A : vector<16xi32>
        %mul3A_529 = arith.constant 128 : i32
        %mul3A_530 = vector.broadcast %mul3A_529 : i32 to vector<16xi32>
        %mul3A_531 = arith.muli %mul3A_530, %add3A_528 : vector<16xi32>
        %add3A_532 = vector.broadcast %add3A_465 : i32 to vector<16xi32>
        %add3A_533 = arith.addi %add3A_532, %mul3A_531 : vector<16xi32>
        %swap3A_534 = arith.constant 1 : i32
        %swap3A_535 = arith.index_cast %swap3A_534 : i32 to index
        %swap3A_536 = arith.constant 80 : index
        %swap3A_537 = tpu.vector_load %arg4[%swap3A_535, %swap3A_536] {strides = array<i32>} : memref<2x128xi32, #tpu.memory_space<vmem>>, vector<16xi32>,
        tpu.vector_store %arg4[%swap3A_535, %swap3A_536], %add3A_533 {strides = array<i32>} : memref<2x128xi32, #tpu.memory_space<vmem>>, vector<16xi32>,
        %add3A_538 = arith.constant 96 : i32
        %add3A_539 = vector.broadcast %add3A_538 : i32 to vector<16xi32>
        %add3A_540 = arith.addi %add3A_539, %iota3A : vector<16xi32>
        %mul3A_541 = arith.constant 128 : i32
        %mul3A_542 = vector.broadcast %mul3A_541 : i32 to vector<16xi32>
        %mul3A_543 = arith.muli %mul3A_542, %add3A_540 : vector<16xi32>
        %add3A_544 = vector.broadcast %add3A_465 : i32 to vector<16xi32>
        %add3A_545 = arith.addi %add3A_544, %mul3A_543 : vector<16xi32>
        %swap3A_546 = arith.constant 1 : i32
        %swap3A_547 = arith.index_cast %swap3A_546 : i32 to index
        %swap3A_548 = arith.constant 96 : index
        %swap3A_549 = tpu.vector_load %arg4[%swap3A_547, %swap3A_548] {strides = array<i32>} : memref<2x128xi32, #tpu.memory_space<vmem>>, vector<16xi32>,
        tpu.vector_store %arg4[%swap3A_547, %swap3A_548], %add3A_545 {strides = array<i32>} : memref<2x128xi32, #tpu.memory_space<vmem>>, vector<16xi32>,
        %add3A_550 = arith.constant 112 : i32
        %add3A_551 = vector.broadcast %add3A_550 : i32 to vector<16xi32>
        %add3A_552 = arith.addi %add3A_551, %iota3A : vector<16xi32>
        %mul3A_553 = arith.constant 128 : i32
        %mul3A_554 = vector.broadcast %mul3A_553 : i32 to vector<16xi32>
        %mul3A_555 = arith.muli %mul3A_554, %add3A_552 : vector<16xi32>
        %add3A_556 = vector.broadcast %add3A_465 : i32 to vector<16xi32>
        %add3A_557 = arith.addi %add3A_556, %mul3A_555 : vector<16xi32>
        %swap3A_558 = arith.constant 1 : i32
        %swap3A_559 = arith.index_cast %swap3A_558 : i32 to index
        %swap3A_560 = arith.constant 112 : index
        %swap3A_561 = tpu.vector_load %arg4[%swap3A_559, %swap3A_560] {strides = array<i32>} : memref<2x128xi32, #tpu.memory_space<vmem>>, vector<16xi32>,
        tpu.vector_store %arg4[%swap3A_559, %swap3A_560], %add3A_557 {strides = array<i32>} : memref<2x128xi32, #tpu.memory_space<vmem>>, vector<16xi32>,
        %dma_start3A_562 = arith.constant 1 : i32
        %dma_start3A_563 = arith.constant 1 : i32
        %dma_start3A_564 = arith.constant 1 : i32
        %dma_start3A_565 = arith.constant 0 : i32
        %dma_start3A_566 = arith.constant 0 : i32
        %dma_start3A_567 = tpu.memref_slice %arg5[%dma_start3A_563, %dma_start3A_565, %dma_start3A_566] : memref<2x128x128xf32, #tpu.memory_space<vmem>> -> memref<1x128x128xf32, #tpu.memory_space<vmem>>
        %dma_start3A_568 = tpu.memref_squeeze %dma_start3A_567 : memref<1x128x128xf32, #tpu.memory_space<vmem>> -> memref<128x128xf32, #tpu.memory_space<vmem>>
        %dma_start3A_569 = arith.constant 0 : i32
        %dma_start3A_570 = tpu.memref_slice %arg4[%dma_start3A_562, %dma_start3A_569] : memref<2x128xi32, #tpu.memory_space<vmem>> -> memref<1x128xi32, #tpu.memory_space<vmem>>
        %dma_start3A_571 = tpu.memref_squeeze %dma_start3A_570 : memref<1x128xi32, #tpu.memory_space<vmem>> -> memref<128xi32, #tpu.memory_space<vmem>>
        %dma_start3A_572 = arith.constant 0 : i32
        %dma_start3A_573 = arith.constant 0 : i32
        %dma_start3A_574 = tpu.memref_slice %arg2[%dma_start3A_572, %dma_start3A_573] : memref<65536x128xf32, #tpu.memory_space<hbm>> -> memref<65536x128xf32, #tpu.memory_space<hbm>>
        %dma_start3A_575 = tpu.memref_slice %arg7[%dma_start3A_564] : memref<2x!tpu.dma_semaphore, #tpu.memory_space<semaphore_mem>> -> memref<1x!tpu.dma_semaphore, #tpu.memory_space<semaphore_mem>>
        %dma_start3A_576 = tpu.memref_squeeze %dma_start3A_575 : memref<1x!tpu.dma_semaphore, #tpu.memory_space<semaphore_mem>> -> memref<!tpu.dma_semaphore, #tpu.memory_space<semaphore_mem>>
        tpu.enqueue_indirect_dma source(%dma_start3A_574 : memref<65536x128xf32, #tpu.memory_space<hbm>>) target(%dma_start3A_568 : memref<128x128xf32, #tpu.memory_space<vmem>>) offsets(%dma_start3A_571 : memref<128xi32, #tpu.memory_space<vmem>>) semaphore(%dma_start3A_576 : memref<!tpu.dma_semaphore, #tpu.memory_space<semaphore_mem>>)
      } else {
      }
    }
    %scan3A_285 = arith.constant 8 : i32
    %dma_wait3A = arith.constant 0 : i32
    %dma_wait3A_286 = arith.constant 0 : i32
    %dma_wait3A_287 = arith.constant 0 : i32
    %dma_wait3A_288 = arith.constant 0 : i32
    %dma_wait3A_289 = tpu.memref_slice %arg6[%dma_wait3A, %dma_wait3A_287, %dma_wait3A_288] : memref<2x128x128xf32, #tpu.memory_space<vmem>> -> memref<1x128x128xf32, #tpu.memory_space<vmem>>
    %dma_wait3A_290 = tpu.memref_squeeze %dma_wait3A_289 : memref<1x128x128xf32, #tpu.memory_space<vmem>> -> memref<128x128xf32, #tpu.memory_space<vmem>>
    %dma_wait3A_291 = arith.constant 0 : i32
    %dma_wait3A_292 = arith.constant 0 : i32
    %dma_wait3A_293 = tpu.memref_slice %arg3[%dma_wait3A_291, %dma_wait3A_292] : memref<65536x128xf32, #tpu.memory_space<hbm>> -> memref<128x128xf32, #tpu.memory_space<hbm>>
    %dma_wait3A_294 = tpu.memref_slice %arg8[%dma_wait3A_286] : memref<2x!tpu.dma_semaphore, #tpu.memory_space<semaphore_mem>> -> memref<1x!tpu.dma_semaphore, #tpu.memory_space<semaphore_mem>>
    %dma_wait3A_295 = tpu.memref_squeeze %dma_wait3A_294 : memref<1x!tpu.dma_semaphore, #tpu.memory_space<semaphore_mem>> -> memref<!tpu.dma_semaphore, #tpu.memory_space<semaphore_mem>>
    %dma_wait3A_296 = arith.constant 0 : i32
    %dma_wait3A_297 = arith.constant 0 : i32
    %dma_wait3A_298 = tpu.memref_slice %arg3[%dma_wait3A_296, %dma_wait3A_297] : memref<65536x128xf32, #tpu.memory_space<hbm>> -> memref<128x128xf32, #tpu.memory_space<hbm>>
    %dma_wait3A_299 = arith.constant 0 : i32
    %dma_wait3A_300 = arith.constant 0 : i32
    %dma_wait3A_301 = tpu.memref_slice %arg6[%dma_wait3A, %dma_wait3A_299, %dma_wait3A_300] : memref<2x128x128xf32, #tpu.memory_space<vmem>> -> memref<1x128x128xf32, #tpu.memory_space<vmem>>
    %dma_wait3A_302 = tpu.memref_squeeze %dma_wait3A_301 : memref<1x128x128xf32, #tpu.memory_space<vmem>> -> memref<128x128xf32, #tpu.memory_space<vmem>>
    tpu.wait_dma2 semaphore(%dma_wait3A_295 : memref<!tpu.dma_semaphore, #tpu.memory_space<semaphore_mem>>) src(%dma_wait3A_302 : memref<128x128xf32, #tpu.memory_space<vmem>>) dst(%dma_wait3A_298 : memref<128x128xf32, #tpu.memory_space<hbm>>)
    %dma_wait3A_303 = arith.constant 1 : i32
    %dma_wait3A_304 = arith.constant 1 : i32
    %dma_wait3A_305 = arith.constant 0 : i32
    %dma_wait3A_306 = arith.constant 0 : i32
    %dma_wait3A_307 = tpu.memref_slice %arg6[%dma_wait3A_303, %dma_wait3A_305, %dma_wait3A_306] : memref<2x128x128xf32, #tpu.memory_space<vmem>> -> memref<1x128x128xf32, #tpu.memory_space<vmem>>
    %dma_wait3A_308 = tpu.memref_squeeze %dma_wait3A_307 : memref<1x128x128xf32, #tpu.memory_space<vmem>> -> memref<128x128xf32, #tpu.memory_space<vmem>>
    %dma_wait3A_309 = arith.constant 0 : i32
    %dma_wait3A_310 = arith.constant 0 : i32
    %dma_wait3A_311 = tpu.memref_slice %arg3[%dma_wait3A_309, %dma_wait3A_310] : memref<65536x128xf32, #tpu.memory_space<hbm>> -> memref<128x128xf32, #tpu.memory_space<hbm>>
    %dma_wait3A_312 = tpu.memref_slice %arg8[%dma_wait3A_304] : memref<2x!tpu.dma_semaphore, #tpu.memory_space<semaphore_mem>> -> memref<1x!tpu.dma_semaphore, #tpu.memory_space<semaphore_mem>>
    %dma_wait3A_313 = tpu.memref_squeeze %dma_wait3A_312 : memref<1x!tpu.dma_semaphore, #tpu.memory_space<semaphore_mem>> -> memref<!tpu.dma_semaphore, #tpu.memory_space<semaphore_mem>>
    %dma_wait3A_314 = arith.constant 0 : i32
    %dma_wait3A_315 = arith.constant 0 : i32
    %dma_wait3A_316 = tpu.memref_slice %arg3[%dma_wait3A_314, %dma_wait3A_315] : memref<65536x128xf32, #tpu.memory_space<hbm>> -> memref<128x128xf32, #tpu.memory_space<hbm>>
    %dma_wait3A_317 = arith.constant 0 : i32
    %dma_wait3A_318 = arith.constant 0 : i32
    %dma_wait3A_319 = tpu.memref_slice %arg6[%dma_wait3A_303, %dma_wait3A_317, %dma_wait3A_318] : memref<2x128x128xf32, #tpu.memory_space<vmem>> -> memref<1x128x128xf32, #tpu.memory_space<vmem>>
    %dma_wait3A_320 = tpu.memref_squeeze %dma_wait3A_319 : memref<1x128x128xf32, #tpu.memory_space<vmem>> -> memref<128x128xf32, #tpu.memory_space<vmem>>
    tpu.wait_dma2 semaphore(%dma_wait3A_313 : memref<!tpu.dma_semaphore, #tpu.memory_space<semaphore_mem>>) src(%dma_wait3A_320 : memref<128x128xf32, #tpu.memory_space<vmem>>) dst(%dma_wait3A_316 : memref<128x128xf32, #tpu.memory_space<hbm>>)
    return
  }
}

</mosaic_0001>

<sc_bundles>
// kernel: kernel.3.cloned.1.call-start
scs
__scs_entry_jumppad:
0x0: {  	(pc) =	sbr.rel $0x88, $3  }
0x1: {  	(tag) =	ssettag $0x0;
	lr =	simm.s32 $0x1  }
0x2: {  	[smem:$0x3FA0] =	sst lr;
	_ =	strace $0xD0000000  }
0x3: {  	_ = 	snop  }
0x4: {  	_ = 	snop  }
0x5: {  	_ = 	snop  }
0x6: {  	_ = 	snop  }
0x7: {  	_ = 	snop  }
__scs_overlays_trampoline_lowered:
0x8: {  	[smem:$0x3FAF] =	sst s0  }
0x9: {  	[smem:$0x3FB0] =	sst s1  }
0xa: {  	[smem:$0x3FB1] =	sst s2  }
0xb: {  	[smem:$0x3FB2] =	sst s3  }
0xc: {  	[smem:$0x3FB3] =	sst s4  }
0xd: {  	[smem:$0x3FB4] =	sst s5  }
0xe: {  	[smem:$0x3FB5] =	sst s6  }
0xf: {  	[smem:$0x3FB6] =	sst s7  }
0x10: {  	[smem:$0x3FB7] =	sst s8  }
0x11: {  	[smem:$0x3FB8] =	sst s9;
	s0 =	simm.s32 @!p0 $0x0  }
0x12: {  	s1 =	sld [smem:$0x3F9E];
	s0 =	simm.s32 @p0 $0x1  }
0x13: {  	[smem:$0x3FB9] =	sst s0;
	s0 =	simm.s32 @!p1 $0x0  }
0x14: {  	s2 =	sld [smem:$0x3F9D];
	s0 =	simm.s32 @p1 $0x1  }
0x15: {  	[smem:$0x3FBA] =	sst s0;
	s0 =	simm.s32 @!p2 $0x0  }
0x16: {  	s3 =	sld [smem:$0x3FDB];
	s0 =	simm.s32 @p2 $0x1  }
0x17: {  	s4 =	simm.s32 $0x1BF5;
	[smem:$0x3FBC] =	sst s0  }
0x18: {  	s0 =	sld [smem:$0x3F9F];
	_ =	swait.ge [sflag:s4], $0x0  }
0x19: {  	s7 =	sld [smem:$0x3FA0]  }
0x1a: {  	s8 =	sadd.s32 $0xFFFFE003, lr  }
0x1b: {  	s9 =	sadd.s32 $0xFFFFFEF7, lr;
	s5 =	simm.s32 $0xFFFFFFFF;
	p2 =	slt.u32 s8, $0xFFFFF086  }
0x1c: {  	p1 =	slt.u32 s9, $0xF7A;
	s5 =	simm.s32 @!p2 $0x0  }
0x1d: {  	s5 =	simm.s32 @p1 $0x1;
	p0 =	seq.s32 s7, s2  }
0x1e: {  	s7 =	smul.u32 @!p0 $0xF7A, s2;
	p2 =	seq.s32 @!p0 s5, $0x0  }
0x1f: {  	s9 =	smul.u32 $0xF7A, s1;
	s8 =	simm.s32 @!p0 $0x1BF5;
	p2 =	por !p2, p0  }
0x20: {  	[sflag:s8] =	ssyncset.s32 @!p0 $0xFFFFF086;
	s6 =	sadd.s32 @!p0 s3, s7;
	s7 =	simm.s32 @!p0 $0x108  }
0x21: {  	s3 =	sadd.s32 s3, s9;
	s6 =	sadd.s32 @!p0 $0x88, s6;
	s7 =	simm.s32 @p2 $0x1082  }
0x22: {  	[simem:s7], [sflag:s8] =	dma.local @!p0 [hbm:s6], $0xF7A  }
0x23: {  	s9 =	sor.u32 $0xD0000000, s2;
	s6 =	simm.s32 $0x108;
	_ =	swait.ge @!p0 [sflag:s8], $0x0  }
0x24: {  	s3 =	sadd.s32 $0x88, s3;
	s6 =	simm.s32 @!p1 $0x1082;
	[sflag:s4] =	ssyncset.s32 $0xFFFFF086  }
0x25: {  	[simem:s6], [sflag:s4] =	dma.local [hbm:s3], $0xF7A  }
0x26: {  	[smem:$0x3FA0] =	sst s1;
	(tag) =	ssettag s2;
	_ =	strace s9  }
0x27: {  	s1 =	sld [smem:$0x3FB0]  }
0x28: {  	s2 =	sld [smem:$0x3FB1]  }
0x29: {  	s4 =	sld [smem:$0x3FB3]  }
0x2a: {  	p0 =	seq.s32 s5, $0x0;
	s5 =	sld [smem:$0x3FB4]  }
0x2b: {  	s6 =	sld [smem:$0x3FB5]  }
0x2c: {  	s7 =	sld [smem:$0x3FB6]  }
0x2d: {  	s3 =	simm.s32 $0x108;
	s8 =	sld [smem:$0x3FB7]  }
0x2e: {  	s3 =	simm.s32 @!p0 $0x1082;
	s9 =	sld [smem:$0x3FB8]  }
0x2f: {  	lr =	sadd.s32 s0, s3;
	s0 =	sld [smem:$0x3FAF]  }
0x30: {  	s3 =	sld [smem:$0x3FB2]  }
0x31: {  	[smem:$0x3FBB] =	sst s10  }
0x32: {  	s10 =	sld [smem:$0x3FB9];
	_ =	sdelay $0x3  }
0x33: {  	p0 =	seq.s32 s10, $0x1;
	s10 =	sld [smem:$0x3FBB];
	_ =	sdelay $0x3  }
0x34: {  	[smem:$0x3FBB] =	sst s10  }
0x35: {  	s10 =	sld [smem:$0x3FBA];
	_ =	sdelay $0x3  }
0x36: {  	p1 =	seq.s32 s10, $0x1;
	s10 =	sld [smem:$0x3FBB];
	_ =	sdelay $0x3  }
0x37: {  	[smem:$0x3FBB] =	sst s10  }
0x38: {  	s10 =	sld [smem:$0x3FBC]  }
0x39: {  	_ = 	snop;
	(pc) =	sbr.ind lr, $3  }
0x3a: {  	_ = 	snop  }
0x3b: {  	_ = 	snop  }
0x3c: {  	p2 =	seq.s32 s10, $0x1;
	s10 =	sld [smem:$0x3FBB]  }
0x3d: {  	_ =	shalt  }
0x3e: {  	_ =	shalt  }
0x3f: {  	_ =	shalt  }
0x40: {  	_ =	shalt  }
0x41: {  	_ =	shalt  }
0x42: {  	_ =	shalt  }
0x43: {  	_ =	shalt  }
0x44: {  	_ =	shalt  }
0x45: {  	_ =	shalt  }
0x46: {  	_ =	shalt  }
0x47: {  	_ =	shalt  }
0x48: {  	_ =	shalt  }
0x49: {  	_ =	shalt  }
0x4a: {  	_ =	shalt  }
0x4b: {  	_ =	shalt  }
0x4c: {  	_ =	shalt  }
0x4d: {  	_ =	shalt  }
0x4e: {  	_ =	shalt  }
0x4f: {  	_ =	shalt  }
0x50: {  	_ =	shalt  }
0x51: {  	_ =	shalt  }
0x52: {  	_ =	shalt  }
0x53: {  	_ =	shalt  }
0x54: {  	_ =	shalt  }
0x55: {  	_ =	shalt  }
0x56: {  	_ =	shalt  }
0x57: {  	_ =	shalt  }
0x58: {  	_ =	shalt  }
0x59: {  	_ =	shalt  }
0x5a: {  	_ =	shalt  }
0x5b: {  	_ =	shalt  }
0x5c: {  	_ =	shalt  }
0x5d: {  	_ =	shalt  }
0x5e: {  	_ =	shalt  }
0x5f: {  	_ =	shalt  }
0x60: {  	_ =	shalt  }
0x61: {  	_ =	shalt  }
0x62: {  	_ =	shalt  }
0x63: {  	_ =	shalt  }
0x64: {  	_ =	shalt  }
0x65: {  	_ =	shalt  }
0x66: {  	_ =	shalt  }
0x67: {  	_ =	shalt  }
0x68: {  	_ =	shalt  }
0x69: {  	_ =	shalt  }
0x6a: {  	_ =	shalt  }
0x6b: {  	_ =	shalt  }
0x6c: {  	_ =	shalt  }
0x6d: {  	_ =	shalt  }
0x6e: {  	_ =	shalt  }
0x6f: {  	_ =	shalt  }
0x70: {  	_ =	shalt  }
0x71: {  	_ =	shalt  }
0x72: {  	_ =	shalt  }
0x73: {  	_ =	shalt  }
0x74: {  	_ =	shalt  }
0x75: {  	_ =	shalt  }
0x76: {  	_ =	shalt  }
0x77: {  	_ =	shalt  }
0x78: {  	_ =	shalt  }
0x79: {  	_ =	shalt  }
0x7a: {  	_ =	shalt  }
0x7b: {  	_ =	shalt  }
0x7c: {  	_ =	shalt  }
0x7d: {  	_ =	shalt  }
0x7e: {  	_ =	shalt  }
0x7f: {  	_ =	shalt  }
0x80: {  	_ =	shalt  }
0x81: {  	_ =	shalt  }
0x82: {  	_ =	shalt  }
0x83: {  	_ =	shalt  }
0x84: {  	_ =	shalt  }
0x85: {  	_ =	shalt  }
0x86: {  	_ =	shalt  }
0x87: {  	_ =	shalt  }
.Lfunc_end0:
.L_simem_size_0:
called_computation_lowered:
.L_overlay_start_0:
0x88: {  	s2 =	sld [smem:$0x3FD9]  }
0x89: {  	s3 =	sld [smem:$0x3FFE];
	_ =	sdelay $0x1  }
0x8a: {  	s1 =	srdreg.scid  }
0x8b: {  	s0 =	sand.u32 $0x1, s1  }
0x8c: {  	s18 =	sshll.u32 s0, $0xA;
	s2 =	sadd.s32 s3, s2  }
0x8d: {  	s2 =	sadd.s32 s2, s18  }
0x8e: {  	[smem:$0x3FC7] =	sst s2  }
0x8f: {  	_ = 	snop  }
0x90: {  	s2 =	sld [smem:$0x3FC9]  }
0x91: {  	s19 =	sld [smem:$0x3FD0];
	(tm) =	ssettm $0x1  }
0x92: {  	s4 =	sld [smem:$0x3FFB];
	_ =	sdelay $0x3  }
0x93: {  	_ =	strace s4  }
0x94: {  	s4 =	sld [smem:$0x3FFC];
	_ =	sdelay $0x3  }
0x95: {  	_ =	strace s4  }
0x96: {  	s4 =	sld [smem:$0x3FFD];
	_ =	sdelay $0x3  }
0x97: {  	_ =	strace s4  }
0x98: {  	_ =	strace $0x8FFFFFFF  }
0x99: {  	s20 =	sld [smem:$0x3FDB];
	_ =	sdelay $0x1  }
0x9a: {  	s5 =	simm.s32 $_scs_section_size  }
0x9b: {  	s6 =	simm.s32 $_size__tile_overlayer_lowered;
	s7 =	simm.s32 $_tile_overlayer_lowered  }
0x9c: {  	s23 =	simm.s32 $0x1BFF;
	s22 =	sshll.u32 s7, $0x1;
	s4 =	sadd.s32 s5, s20  }
0x9d: {  	s8 =	simm.s32 $0x0;
	s21 =	sshll.u32 s6, $0x1;
	s6 =	sadd.s32 s22, s4  }
0x9e: {  	[timem:s8], [sflag:s23] =	dma.local [hbm:s6], s21  }
0x9f: {  	_ =	swait.ge [sflag:s23], s21  }
0xa0: {  	s5 =	ssub.s32 $0x0, s21;
	[sflag:s23] =	ssyncset.done $0x0  }
0xa1: {  	[sflag:s23] =	ssyncadd.s32 s5;
	_ =	sdelay $0x1  }
0xa2: {  	s24 =	simm.s32 $0x1B8B  }
0xa3: {  	_ =	swait.ge [sflag:s24], $0x1  }
0xa4: {  	[sflag:s24] =	ssyncset.done $0x0  }
0xa5: {  	s25 =	simm.s32 $0x1B8E;
	[sflag:s24] =	ssyncadd.s32 $0xFFFFFFFF  }
0xa6: {  	s26 =	simm.s32 $execute0_lowered;
	[smem:$0x3FD2] =	sst s25  }
0xa7: {  	s5 =	sshll.u32 s26, $0x1;
	_ =	strace $0x80000046;
	[dreg:$0x1] =	wrdreg $0xFFFFFFFF  }
0xa8: {  	s28 =	simm.s32 $_size_execute0_lowered;
	s4 =	sadd.s32 s4, s5;
	[dreg:$0x0] =	wrdreg $0x0  }
0xa9: {  	s5 =	sshll.u32 s28, $0x1;
	[dreg:$0x2] =	wrdreg s4  }
0xaa: {  	[dreg:$0x3] =	wrdreg s5  }
0xab: {  	[dreg:$0x4] =	wrdreg $0xC0  }
0xac: {  	_ =	task [dreg:s8], $0x5FFFF  }
0xad: {  	[dreg:$0x1] =	wrdreg $0xFFFFFFFF  }
0xae: {  	[dreg:$0x0] =	wrdreg $0x60  }
0xaf: {  	[dreg:$0x2] =	wrdreg s2  }
0xb0: {  	[dreg:$0x3] =	wrdreg s19  }
0xb1: {  	[dreg:$0x4] =	wrdreg $0x9  }
0xb2: {  	_ =	task.clear_ibuf [dreg:s8], $0x5FFFF;
	_ =	strace $0x90000046  }
0xb3: {  	s29 =	simm.s32 $0x9;
	_ =	strace $0x80000048  }
0xb4: {  	_ =	swait.ge [sflag:s29], $0x1  }
0xb5: {  	[sflag:s29] =	ssyncadd.s32 $0xFFFFFFFF  }
0xb6: {  	_ =	strace $0x90000048  }
0xb7: {  	_ =	sfence  }
0xb8: {  	s30 =	sld [smem:$0x0];
	_ =	sdelay $0x2  }
0xb9: {  	s31 =	sshll.u32 s1, $0xD;
	s1 =	sshrl.u32 s1, $0x2  }
0xba: {  	s3 =	sand.u32 $0x4000, s31;
	s1 =	sadd.s32 s1, s30  }
0xbb: {  	s0 =	sor.u32 s3, s0;
	s1 =	sshll.u32 s1, $0x11  }
0xbc: {  	s0 =	sor.u32 s1, s0  }
0xbd: {  	s0 =	sadd.s32 $0x8F2B, s0  }
0xbe: {  	[sflag:s0] =	ssyncadd.remote.s32 $0x1  }
0xbf: {  	_ =	sfence.sel $0xFFFF  }
0xc0: {  	[dreg:$0x0] =	wrdreg $0xFFFFFFFF;
	(pc) =	sbr.abs _section_cstart, $3  }
0xc1: {  	[dreg:$0x1] =	wrdreg $0xFFFFFFFF  }
0xc2: {  	_ =	task.clear_ibuf [dreg:s8], $0x2FFFF;
	_ =	strace $0x9FFFFFFF  }
0xc3: {  	(tm) =	ssettm $0x7FFFFFFF  }
tec
execute0_lowered:
.L_overlay_start_1:
0x0: {  	(tag) =	ssettag $0x1  }
0x1: {  	s1 =	srdreg.scid  }
0x2: {  	s0 =	stileid.u32;
	s3 =	rddreg [dreg:$0x1];
	s5 =	simm.s32 $0x0  }
0x3: {  	v19 =	vlaneseq.u32;
	s12 =	simm.s32 $0x1;
	s13 =	simm.s32 $0x8100;
	s6 =	sand.u32 $0x1, s1  }
0x4: {  	s14 =	simm.s32 $0x2;
	s7 =	sshll.u32 s0, $0x5;
	v0 =	vmul.u32 $0x80, v19;
	s2 =	sshll.u32 s6, $0x4  }
0x5: {  	s15 =	simm.s32 $0xC100;
	s8 =	sshll.u32 s0, $0xC;
	v24 =	vmul.u32 $0xFFFFFFFF, v19;
	s4 =	sor.u32 s2, s7  }
0x6: {  	s17 =	simm.s32 $0x4;
	s1 =	rddreg [dreg:$0x0];
	v1 =	vor.u32 $0x800, v0;
	v4 =	vor.u32 $0x1000, v0;
	v6 =	vor.u32 $0x1800, v0;
	s9 =	sor.u32 s8, s4  }
0x7: {  	s18 =	simm.s32 $0x0;
	[smem:$0x7FF] =	sst s5;
	v7 =	vor.u32 $0x2000, v0;
	v10 =	vor.u32 $0x2800, v0;
	v12 =	vor.u32 $0x3000, v0;
	s9 =	sand.u32 $0xC070, s9  }
0x8: {  	s6 =	ssub.s32 $0x2, s6;
	s7 =	sand.u32 $0x180, s7;
	v13 =	vor.u32 $0x3800, v0;
	v24 =	vadd.s32 $0xF, v24;
	s10 =	sor.u32 $0x1, s4;
	v2 =	vor.u32 s9, v0  }
.Ltmp0:
0x9: {  	s8 =	sand.u32 $0xC000, s8;
	s7 =	ssub.s32 s10, s7;
	v3 =	vor.u32 s9, v1;
	v5 =	vor.u32 s9, v4;
	v8 =	vor.u32 s9, v6;
	(pc) =	sbr.rel .LBB2_1-.Ltmp0, $4  }
0xa: {  	s2 =	rddreg [dreg:$0x2];
	s11 =	sshrl.u32 s6, $0x1;
	v9 =	vor.u32 s9, v7;
	v11 =	vor.u32 s9, v10;
	s16 =	sadd.s32 s8, s7;
	v14 =	vor.u32 s9, v12  }
0xb: {  	_ =	strace $0x80000047;
	s31 =	ssub.s32 s6, s11;
	s6 =	sor.u32 $0x2, s4;
	v15 =	vor.u32 s9, v13;
	v16 =	vadd.s32 s16, v0;
	v17 =	vadd.s32 s16, v1  }
0xc: {  	s11 =	simm.s32 $0x4100;
	s10 =	simm.s32 $0x100;
	s7 =	sor.u32 $0x3, s4;
	v18 =	vadd.s32 s16, v4;
	v19 =	vadd.s32 s16, v6;
	v20 =	vadd.s32 s16, v7  }
0xd: {  	s8 =	smax.u32 s31, $0x1;
	s9 =	simm.s32 $0x80;
	v21 =	vadd.s32 s16, v10;
	v22 =	vadd.s32 s16, v12;
	v23 =	vadd.s32 s16, v13;
	s16 =	simm.s32 $0x3  }
.LBB2_8:
0xe: {  	s18 =	sadd.s32 $0x1, s18  }
0xf: {  	_ =	swait.ge [sflag:s16], $0x4000;
	p0 =	sne.s32 s18, s8  }
.Ltmp1:
0x10: {  	[sflag:s16] =	ssyncset.done $0x0;
	(pc) =	sbr.rel @!p0 .LBB2_9-.Ltmp1, $4  }
0x11: {  	[sflag:s16] =	ssyncadd.s32 $0xFFFFC000  }
0x12: {  	_ =	swait.ge [sflag:s17], $0x4000  }
0x13: {  	[sflag:s17] =	ssyncset.done $0x0  }
0x14: {  	[sflag:s17] =	ssyncadd.s32 $0xFFFFC000  }
.LBB2_1:
0x15: {  	[tilespmem:$0x0] =	vst v2  }
0x16: {  	[tilespmem:$0x10] =	vst v3  }
0x17: {  	[tilespmem:$0x20] =	vst v5  }
0x18: {  	[tilespmem:$0x30] =	vst v8  }
0x19: {  	[tilespmem:$0x40] =	vst v9  }
0x1a: {  	[tilespmem:$0x50] =	vst v11  }
0x1b: {  	[tilespmem:$0x60] =	vst v14  }
0x1c: {  	[tilespmem:$0x70] =	vst v15  }
0x1d: {  	[tilespmem:s10], [sflag:$0x1] =	stream.indirect.gather [hbm4b:s1+s9], $0x80, s5, s9, $0xb8;
	[tilespmem:$0x10100] =	vst v63  }
0x1e: {  	[tilespmem:$0x80] =	vst v16  }
0x1f: {  	[tilespmem:$0x90] =	vst v17  }
0x20: {  	[tilespmem:$0xA0] =	vst v18  }
0x21: {  	[tilespmem:$0xB0] =	vst v19  }
0x22: {  	[tilespmem:$0xC0] =	vst v20  }
0x23: {  	[tilespmem:$0xD0] =	vst v21  }
0x24: {  	[tilespmem:$0xE0] =	vst v22  }
0x25: {  	s19 =	simm.s32 $0x0;
	[tilespmem:$0xF0] =	vst v23  }
0x26: {  	[tilespmem:s11], [sflag:$0x2] =	stream.indirect.gather [hbm4b:s1+s9], $0x80, s9, s9, $0xb8;
	[tilespmem:$0x10100] =	vst v63  }
.LBB2_2:
0x27: {  	_ =	swait.ge [sflag:s12], $0x4000  }
0x28: {  	p1 =	seq.s32 s19, $0x0;
	[sflag:s12] =	ssyncset.done $0x0  }
0x29: {  	s20 =	simm.s32 @!p1 $0x3;
	[sflag:s12] =	ssyncadd.s32 $0xFFFFC000  }
0x2a: {  	_ =	swait.ge @!p1 [sflag:s20], $0x4000  }
0x2b: {  	[sflag:s20] =	ssyncset.done @!p1 $0x0  }
0x2c: {  	s22 =	simm.s32 $0x0;
	[sflag:s20] =	ssyncadd.s32 @!p1 $0xFFFFC000  }
0x2d: {  	v26 =	vld [tilespmem:s22+$0x170]  }
0x2e: {  	v30 =	vld [tilespmem:s22+$0x100]  }
0x2f: {  	v31 =	vld [tilespmem:s22+$0x110]  }
0x30: {  	v29 =	vld [tilespmem:s22+$0x120]  }
0x31: {  	v28 =	vld [tilespmem:s22+$0x130]  }
0x32: {  	v25 =	vld [tilespmem:s22+$0x140];
	v32 =	vperm.xlane v26, v24  }
0x33: {  	v26 =	vld [tilespmem:s22+$0x150];
	v30 =	vperm.xlane v30, v24  }
0x34: {  	s21 =	simm.s32 $0x80;
	s23 =	simm.s32 $0x400;
	s20 =	sshll.u32 s19, $0x1;
	v27 =	vld [tilespmem:s22+$0x160];
	v31 =	vperm.xlane v31, v24;
	[tilespmem:s22+$0x8100] =	vst v32  }
.LBB2_3:
0x35: {  	p0 =	sne.s32 s23, $0xFE00;
	v32 =	vld [tilespmem:s21+$0x170];
	[tilespmem:s22+$0x8170] =	vst v30;
	v29 =	vperm.xlane v29, v24  }
0x36: {  	v30 =	vld [tilespmem:s21+$0x100];
	[tilespmem:s22+$0x8160] =	vst v31;
	v28 =	vperm.xlane v28, v24  }
0x37: {  	v31 =	vld [tilespmem:s21+$0x110];
	[tilespmem:s22+$0x8150] =	vst v29;
	v25 =	vperm.xlane v25, v24  }
.Ltmp2:
0x38: {  	v29 =	vld [tilespmem:s21+$0x120];
	[tilespmem:s22+$0x8140] =	vst v28;
	v26 =	vperm.xlane v26, v24;
	(pc) =	sbr.rel @p0 .LBB2_3-.Ltmp2, $4  }
0x39: {  	v28 =	vld [tilespmem:s21+$0x130];
	[tilespmem:s22+$0x8130] =	vst v25;
	v27 =	vperm.xlane v27, v24  }
0x3a: {  	v25 =	vld [tilespmem:s21+$0x140];
	v32 =	vperm.xlane v32, v24;
	[tilespmem:s22+$0x8120] =	vst v26  }
0x3b: {  	v30 =	vperm.xlane v30, v24;
	v26 =	vld [tilespmem:s21+$0x150];
	[tilespmem:s22+$0x8110] =	vst v27;
	s22 =	smov.u32 s21  }
0x3c: {  	s21 =	sshra.s32 s23, $0x2;
	s23 =	sadd.s32 $0x200, s23;
	v31 =	vperm.xlane v31, v24;
	v27 =	vld [tilespmem:s22+$0x160];
	[tilespmem:s22+$0x8100] =	vst v32  }
0x3d: {  	v32 =	vld [tilespmem:s21+$0x170];
	[tilespmem:s22+$0x8170] =	vst v30;
	v29 =	vperm.xlane v29, v24  }
0x3e: {  	v30 =	vld [tilespmem:s21+$0x100];
	[tilespmem:s22+$0x8160] =	vst v31;
	v28 =	vperm.xlane v28, v24  }
0x3f: {  	v31 =	vld [tilespmem:s21+$0x110];
	[tilespmem:s22+$0x8150] =	vst v29;
	v25 =	vperm.xlane v25, v24  }
0x40: {  	v29 =	vld [tilespmem:s21+$0x120];
	[tilespmem:s22+$0x8140] =	vst v28;
	v26 =	vperm.xlane v26, v24  }
0x41: {  	v28 =	vld [tilespmem:s21+$0x130];
	[tilespmem:s22+$0x8130] =	vst v25;
	v25 =	vperm.xlane v27, v24  }
0x42: {  	v27 =	vld [tilespmem:s21+$0x140];
	v32 =	vperm.xlane v32, v24;
	[tilespmem:s22+$0x8120] =	vst v26  }
0x43: {  	v26 =	vld [tilespmem:s21+$0x150];
	v30 =	vperm.xlane v30, v24;
	[tilespmem:s22+$0x8110] =	vst v25  }
0x44: {  	v25 =	vld [tilespmem:s21+$0x160];
	v31 =	vperm.xlane v31, v24;
	[tilespmem:s21+$0x8100] =	vst v32  }
0x45: {  	[tilespmem:s21+$0x8170] =	vst v30;
	v29 =	vperm.xlane v29, v24  }
0x46: {  	[tilespmem:s21+$0x8160] =	vst v31;
	v28 =	vperm.xlane v28, v24  }
0x47: {  	p0 =	seq.s32 s19, $0x7;
	[tilespmem:s21+$0x8150] =	vst v29;
	v27 =	vperm.xlane v27, v24  }
0x48: {  	s22 =	sadd.s32 @!p0 s20, s6;
	[tilespmem:s21+$0x8140] =	vst v28;
	v26 =	vperm.xlane v26, v24  }
0x49: {  	s23 =	sadd.s32 s4, s20;
	s24 =	sshll.u32 @!p0 s22, $0x7;
	[tilespmem:s21+$0x8130] =	vst v27;
	v25 =	vperm.xlane v25, v24;
	v27 =	vlaneseq.u32 @!p0  }
0x4a: {  	s23 =	sshll.u32 s23, $0xB;
	s22 =	sand.u32 @!p0 $0x7E, s22;
	s24 =	sand.u32 @!p0 $0x1C000, s24;
	[tilespmem:s21+$0x8120] =	vst v26;
	v26 =	vmul.u32 @!p0 $0x80, v27  }
0x4b: {  	s31 =	sadd.s32 s3, s23;
	s22 =	sor.u32 @!p0 s22, s24;
	[tilespmem:s21+$0x8110] =	vst v25  }
0x4c: {  	[hbm4b:s31+s5] =	stream.linear.scatter [tilespmem:s13], [sflag:$0x3], $0x4000, $0x38;
	v25 =	vor.u32 @!p0 s22, v26;
	v27 =	vor.u32 @!p0 $0x800, v26;
	[tilespmem:$0x10100] =	vst v63  }
0x4d: {  	[tilespmem:$0x0] =	vst @!p0 v25;
	v25 =	vor.u32 @!p0 s22, v27;
	v27 =	vor.u32 @!p0 $0x1000, v26  }
0x4e: {  	[tilespmem:$0x10] =	vst @!p0 v25;
	v25 =	vor.u32 @!p0 s22, v27;
	v27 =	vor.u32 @!p0 $0x1800, v26  }
0x4f: {  	[tilespmem:$0x20] =	vst @!p0 v25;
	v25 =	vor.u32 @!p0 s22, v27;
	v27 =	vor.u32 @!p0 $0x2000, v26  }
0x50: {  	[tilespmem:$0x30] =	vst @!p0 v25;
	v25 =	vor.u32 @!p0 s22, v27;
	v27 =	vor.u32 @!p0 $0x2800, v26  }
0x51: {  	[tilespmem:$0x40] =	vst @!p0 v25;
	v25 =	vor.u32 @!p0 s22, v27;
	v27 =	vor.u32 @!p0 $0x3000, v26  }
0x52: {  	v26 =	vor.u32 @!p0 $0x3800, v26;
	[tilespmem:$0x50] =	vst @!p0 v25;
	v25 =	vor.u32 @!p0 s22, v27  }
0x53: {  	[tilespmem:$0x60] =	vst @!p0 v25;
	v25 =	vor.u32 @!p0 s22, v26  }
0x54: {  	s23 =	simm.s32 @!p0 $0x100;
	s21 =	simm.s32 @!p0 $0x80;
	s22 =	simm.s32 @!p0 $0x0;
	[tilespmem:$0x70] =	vst @!p0 v25  }
0x55: {  	[tilespmem:s23], [sflag:$0x1] =	stream.indirect.gather @!p0 [hbm4b:s1+s21], $0x80, s22, s21, $0xb8;
	[tilespmem:$0x10100] =	vst v63  }
0x56: {  	_ =	swait.ge [sflag:s14], $0x4000  }
0x57: {  	[sflag:s14] =	ssyncset.done $0x0  }
0x58: {  	s21 =	simm.s32 @!p1 $0x4;
	[sflag:s14] =	ssyncadd.s32 $0xFFFFC000  }
0x59: {  	_ =	swait.ge @!p1 [sflag:s21], $0x4000  }
0x5a: {  	[sflag:s21] =	ssyncset.done @!p1 $0x0  }
0x5b: {  	s23 =	simm.s32 $0x0;
	[sflag:s21] =	ssyncadd.s32 @!p1 $0xFFFFC000  }
0x5c: {  	v26 =	vld [tilespmem:s23+$0x4170]  }
0x5d: {  	v30 =	vld [tilespmem:s23+$0x4100]  }
0x5e: {  	v31 =	vld [tilespmem:s23+$0x4110]  }
0x5f: {  	v29 =	vld [tilespmem:s23+$0x4120]  }
0x60: {  	v28 =	vld [tilespmem:s23+$0x4130]  }
0x61: {  	v25 =	vld [tilespmem:s23+$0x4140];
	v63 =	vperm.xlane v26, v24  }
0x62: {  	v26 =	vld [tilespmem:s23+$0x4150];
	v30 =	vperm.xlane v30, v24  }
0x63: {  	s24 =	simm.s32 $0x400;
	s22 =	simm.s32 $0x80;
	s21 =	sor.u32 $0x1, s20;
	v27 =	vld [tilespmem:s23+$0x4160];
	v31 =	vperm.xlane v31, v24;
	[tilespmem:s23+$0xC100] =	vst v63  }
.LBB2_5:
0x64: {  	p1 =	sne.s32 s24, $0xFE00;
	v32 =	vld [tilespmem:s22+$0x4170];
	[tilespmem:s23+$0xC170] =	vst v30;
	v29 =	vperm.xlane v29, v24  }
0x65: {  	v30 =	vld [tilespmem:s22+$0x4100];
	[tilespmem:s23+$0xC160] =	vst v31;
	v28 =	vperm.xlane v28, v24  }
0x66: {  	v31 =	vld [tilespmem:s22+$0x4110];
	[tilespmem:s23+$0xC150] =	vst v29;
	v25 =	vperm.xlane v25, v24  }
.Ltmp3:
0x67: {  	v29 =	vld [tilespmem:s22+$0x4120];
	[tilespmem:s23+$0xC140] =	vst v28;
	v26 =	vperm.xlane v26, v24;
	(pc) =	sbr.rel @p1 .LBB2_5-.Ltmp3, $4  }
0x68: {  	v28 =	vld [tilespmem:s22+$0x4130];
	[tilespmem:s23+$0xC130] =	vst v25;
	v27 =	vperm.xlane v27, v24  }
0x69: {  	v25 =	vld [tilespmem:s22+$0x4140];
	v32 =	vperm.xlane v32, v24;
	[tilespmem:s23+$0xC120] =	vst v26  }
0x6a: {  	v30 =	vperm.xlane v30, v24;
	v26 =	vld [tilespmem:s22+$0x4150];
	[tilespmem:s23+$0xC110] =	vst v27;
	s23 =	smov.u32 s22  }
0x6b: {  	s22 =	sshra.s32 s24, $0x2;
	s24 =	sadd.s32 $0x200, s24;
	v31 =	vperm.xlane v31, v24;
	v27 =	vld [tilespmem:s23+$0x4160];
	[tilespmem:s23+$0xC100] =	vst v32  }
0x6c: {  	v32 =	vld [tilespmem:s22+$0x4170];
	[tilespmem:s23+$0xC170] =	vst v30;
	v29 =	vperm.xlane v29, v24  }
0x6d: {  	v60 =	vld [tilespmem:s22+$0x4100];
	[tilespmem:s23+$0xC160] =	vst v31;
	v28 =	vperm.xlane v28, v24  }
0x6e: {  	v61 =	vld [tilespmem:s22+$0x4110];
	[tilespmem:s23+$0xC150] =	vst v29;
	v25 =	vperm.xlane v25, v24  }
0x6f: {  	v62 =	vld [tilespmem:s22+$0x4120];
	[tilespmem:s23+$0xC140] =	vst v28;
	v26 =	vperm.xlane v26, v24  }
0x70: {  	v63 =	vld [tilespmem:s22+$0x4130];
	[tilespmem:s23+$0xC130] =	vst v25;
	v25 =	vperm.xlane v27, v24  }
0x71: {  	v27 =	vld [tilespmem:s22+$0x4140];
	v32 =	vperm.xlane v32, v24;
	[tilespmem:s23+$0xC120] =	vst v26  }
0x72: {  	v26 =	vld [tilespmem:s22+$0x4150];
	v30 =	vperm.xlane v60, v24;
	[tilespmem:s23+$0xC110] =	vst v25  }
0x73: {  	v31 =	vperm.xlane v61, v24;
	v25 =	vld [tilespmem:s22+$0x4160];
	[tilespmem:s22+$0xC100] =	vst v32  }
0x74: {  	v29 =	vperm.xlane v62, v24;
	[tilespmem:s22+$0xC170] =	vst v30  }
0x75: {  	v28 =	vperm.xlane v63, v24;
	[tilespmem:s22+$0xC160] =	vst v31  }
0x76: {  	[tilespmem:s22+$0xC150] =	vst v29;
	v27 =	vperm.xlane v27, v24  }
.Ltmp4:
0x77: {  	[tilespmem:s22+$0xC140] =	vst v28;
	v26 =	vperm.xlane v26, v24;
	(pc) =	sbr.rel @p0 .LBB2_8-.Ltmp4, $4  }
0x78: {  	s21 =	sadd.s32 s4, s21;
	[tilespmem:s22+$0xC130] =	vst v27;
	v25 =	vperm.xlane v25, v24  }
0x79: {  	s21 =	sshll.u32 s21, $0xB;
	[tilespmem:s22+$0xC120] =	vst v26  }
0x7a: {  	s21 =	sadd.s32 s3, s21;
	[tilespmem:s22+$0xC110] =	vst v25  }
0x7b: {  	[hbm4b:s21+s5] =	stream.linear.scatter [tilespmem:s15], [sflag:$0x4], $0x4000, $0x38;
	[tilespmem:$0x10100] =	vst v63  }
0x7c: {  	s20 =	sadd.s32 s20, s7  }
0x7d: {  	s21 =	sshll.u32 s20, $0x7  }
0x7e: {  	s20 =	sand.u32 $0x7F, s20;
	s21 =	sand.u32 $0x1C000, s21  }
0x7f: {  	s20 =	sor.u32 s20, s21  }
0x80: {  	v25 =	vor.u32 s20, v0  }
0x81: {  	[tilespmem:$0x80] =	vst v25;
	v25 =	vor.u32 s20, v1  }
0x82: {  	[tilespmem:$0x90] =	vst v25;
	v25 =	vor.u32 s20, v4  }
0x83: {  	[tilespmem:$0xA0] =	vst v25;
	v25 =	vor.u32 s20, v6  }
0x84: {  	[tilespmem:$0xB0] =	vst v25;
	v25 =	vor.u32 s20, v7  }
.Ltmp5:
0x85: {  	[tilespmem:$0xC0] =	vst v25;
	v25 =	vor.u32 s20, v10;
	(pc) =	sbr.rel .LBB2_2-.Ltmp5, $4  }
0x86: {  	[tilespmem:$0xD0] =	vst v25;
	v25 =	vor.u32 s20, v12  }
0x87: {  	[tilespmem:$0xE0] =	vst v25;
	v25 =	vor.u32 s20, v13  }
0x88: {  	s19 =	sadd.s32 $0x1, s19;
	[tilespmem:$0xF0] =	vst v25  }
0x89: {  	[tilespmem:s11], [sflag:$0x2] =	stream.indirect.gather [hbm4b:s1+s9], $0x80, s9, s9, $0xb8;
	[tilespmem:$0x10100] =	vst v63  }
.LBB2_9:
0x8a: {  	_ =	sfence.sel $0x180000  }
0x8b: {  	[bflag:$0x0] =	sbarrier.arrive $0xFFFF  }
0x8c: {  	p0 =	sne.s32 s0, $0x0;
	_ =	strace $0x90000047  }
0x8d: {  	s0 =	sadd.s32 @!p0 $0x100000, s2;
	[bflag:$0x2] =	sbarrier.arrive $0xFFFF  }
0x8e: {  	[sflag:s0] =	ssyncadd.tile.s32 @!p0 $0x1;
	_ =	shalt  }
.Lfunc_end2:
_tile_overlayer_lowered:
.L_overlay_start_2:
0x8f: {  	(tag) =	ssettag $0x2  }
0x90: {  	s0 =	rddreg [dreg:$0x0];
	s2 =	stileid.u32  }
0x91: {  	s1 =	rddreg [dreg:$0x1];
	p0 =	sne.s32 s2, $0x0  }
0x92: {  	s3 =	rddreg [dreg:$0x2];
	[bflag:$0x3] =	sbarrier.arrive $0xFFFF;
	s2 =	simm.s32 @!p0 $0x1C05  }
0x93: {  	[timem:s3], [sflag:s2] =	dma.local @!p0 [hbm:s0], s1  }
0x94: {  	s0 =	simm.s32 @!p0 $0x5  }
0x95: {  	_ =	swait.ge @!p0 [sflag:s0], s1  }
0x96: {  	s1 =	ssub.s32 @!p0 $0x0, s1;
	[sflag:s0] =	ssyncset.done @!p0 $0x0  }
0x97: {  	[sflag:s0] =	ssyncadd.s32 @!p0 s1  }
0x98: {  	[bflag:$0x3] =	sbarrier.arrive $0xFFFF  }
0x99: {  	_ =	shalt  }

</sc_bundles>
